<compile_context>
chip_gen: v7x
topology: tpu7x:2x2x1
jax: 0.10.2.dev20260603
libtpu: 0.0.44.dev20260713+nightly
codegen_flags: <defaults>
</compile_context>

<pallas_src>
import functools

import jax
import jax.numpy as jnp
import numpy as np
from jax import lax
from jax.experimental import pallas as pl
from jax.experimental.pallas import tpu as pltpu
from jax.experimental.pallas import tpu_sc as plsc

_F32 = jnp.float32


def _p1_body(x_ref, g_ref, b_ref, w_ref, q_ref, kv_ref, *, d):
    xv = x_ref[...]
    mu = jnp.mean(xv, axis=-1, keepdims=True)
    var = jnp.mean(jnp.square(xv - mu), axis=-1, keepdims=True)
    xn = (xv - mu) / jnp.sqrt(var + 1e-5) * g_ref[...] + b_ref[...]
    qkv = jnp.dot(xn, w_ref[...], preferred_element_type=_F32)
    q_ref[...] = qkv[:, :d]
    ki = lax.bitcast_convert_type(
        qkv[:, d:2 * d].astype(jnp.bfloat16).astype(_F32), jnp.int32)
    vi = lax.bitcast_convert_type(
        qkv[:, 2 * d:].astype(jnp.bfloat16).astype(_F32), jnp.int32)
    kv_ref[...] = lax.shift_right_logical(ki, 16) | (vi & jnp.int32(-65536))


def _p1_call(x2, g, b, W_qkv, t1, interpret=False):
    n, d = x2.shape
    grid = (n // t1,)
    return pl.pallas_call(
        functools.partial(_p1_body, d=d),
        grid=grid,
        in_specs=[
            pl.BlockSpec((t1, d), lambda i: (i, 0)),
            pl.BlockSpec((1, d), lambda i: (0, 0)),
            pl.BlockSpec((1, d), lambda i: (0, 0)),
            pl.BlockSpec((d, 3 * d), lambda i: (0, 0)),
        ],
        out_specs=[
            pl.BlockSpec((t1, d), lambda i: (i, 0)),
            pl.BlockSpec((t1, d), lambda i: (i, 0)),
        ],
        out_shape=[
            jax.ShapeDtypeStruct((n, d), _F32),
            jax.ShapeDtypeStruct((n, d), jnp.int32),
        ],
        interpret=interpret,
    )(x2, g.reshape(1, d), b.reshape(1, d), W_qkv)


def _sc_gather(kv, idx_flat, chunk, off, count):
    n_rows, row_w = idx_flat.shape[0], kv.shape[1]
    dt = kv.dtype
    info = plsc.get_sparse_core_info()
    nw = info.num_cores * info.num_subcores
    per_col = n_rows // nw
    per_w = count
    n_chunks = per_w // chunk
    mesh = plsc.VectorSubcoreMesh(core_axis_name="c", subcore_axis_name="s")

    @functools.partial(
        pl.kernel,
        mesh=mesh,
        out_type=jax.ShapeDtypeStruct((nw * per_w, row_w), dt),
        scratch_types=[
            pltpu.VMEM((per_w,), jnp.int32),
            pltpu.VMEM((chunk, row_w), dt),
            pltpu.VMEM((chunk, row_w), dt),
            pltpu.SemaphoreType.DMA,
            pltpu.SemaphoreType.DMA,
        ],
    )
    def k(kv_hbm, idx_hbm, out_hbm, idx_all, rows0, rows1, sem0, sem1):
        wid = lax.axis_index("s") * info.num_cores + lax.axis_index("c")
        base = wid * per_w
        pltpu.sync_copy(idx_hbm.at[pl.ds(wid * per_col + off, per_w)], idx_all)

        def start(c, buf, sem):
            pltpu.make_async_copy(
                kv_hbm.at[idx_all.at[pl.ds(c * chunk, chunk)]], buf, sem).start()

        def wait(buf, sem):
            pltpu.make_async_copy(
                kv_hbm.at[idx_all.at[pl.ds(0, chunk)]], buf, sem).wait()

        def store(c, buf):
            pltpu.sync_copy(buf, out_hbm.at[pl.ds(base + c * chunk, chunk)])

        if n_chunks % 2 == 1:
            start(0, rows0, sem0)

            def body(s, carry):
                c0 = 2 * s
                start(c0 + 1, rows1, sem1)
                wait(rows0, sem0)
                store(c0, rows0)
                start(c0 + 2, rows0, sem0)
                wait(rows1, sem1)
                store(c0 + 1, rows1)
                return carry

            lax.fori_loop(0, n_chunks // 2, body, 0)
            wait(rows0, sem0)
            store(n_chunks - 1, rows0)
        else:
            def body(c, carry):
                start(c, rows0, sem0)
                wait(rows0, sem0)
                store(c, rows0)
                return carry

            lax.fori_loop(0, n_chunks, body, 0)

    return k(kv, idx_flat)


def _p3_step(dist_ref, kvg_ref, qv, w1_ref, b1_ref, w2_ref, b2_ref,
             sel_ref, selt_ref, t, d, scale):
    dist_b = dist_ref[...].astype(jnp.bfloat16)
    kv_i = kvg_ref[...].reshape(t, d)
    k_f = lax.bitcast_convert_type(lax.shift_left(kv_i, 16), _F32)
    v_f = lax.bitcast_convert_type(kv_i & jnp.int32(-65536), _F32)

    h1 = jnp.maximum(
        jnp.dot(dist_b, w1_ref[...], preferred_element_type=_F32) + b1_ref[...], 0.0)
    pos = jnp.dot(h1.astype(jnp.bfloat16), w2_ref[...],
                  preferred_element_type=_F32) + b2_ref[...]

    kh = k_f + pos[:, :d]
    vh = v_f + pos[:, d:]

    logit = jnp.dot((qv * kh).astype(jnp.bfloat16), sel_ref[...],
                    preferred_element_type=_F32) * scale

    p = jnp.exp(logit)
    p_b = jnp.dot(p.astype(jnp.bfloat16), selt_ref[...],
                  preferred_element_type=_F32)
    return p, p_b * vh


def _p3_body(dist_a, dist_b, kvg_a, kvg_b, q_ref,
             w1_ref, b1_ref, w2_ref, b2_ref,
             sel_ref, selt_ref,
             s_ref, acc_ref,
             *, t, d, scale):
    j = pl.program_id(1)
    qv = q_ref[...]
    pa, ca = _p3_step(dist_a, kvg_a, qv, w1_ref, b1_ref, w2_ref, b2_ref,
                      sel_ref, selt_ref, t, d, scale)
    pb, cb = _p3_step(dist_b, kvg_b, qv, w1_ref, b1_ref, w2_ref, b2_ref,
                      sel_ref, selt_ref, t, d, scale)

    @pl.when(j == 0)
    def _():
        s_ref[...] = pa + pb
        acc_ref[...] = ca + cb

    @pl.when(j > 0)
    def _():
        s_ref[...] = s_ref[...] + (pa + pb)
        acc_ref[...] = acc_ref[...] + (ca + cb)


def _p3_call(dist2, kvg3, q, pos_W1, pos_b1, pos_W2, pos_b2,
             t, off=0, count=None, interpret=False):
    n, d = q.shape
    if count is None:
        count = n
    ib0 = off // t
    nj = kvg3.shape[0]
    h = 8
    dk = d // h
    grid = (count // t, nj // 2)

    sel = np.repeat(np.eye(h, dtype=np.float32), dk, axis=0)
    selt = sel.T.copy()

    const = lambda *shape: pl.BlockSpec(shape, lambda i, j: (0,) * len(shape))
    return pl.pallas_call(
        functools.partial(_p3_body, t=t, d=d, scale=float(dk) ** -0.5),
        grid=grid,
        in_specs=[
            pl.BlockSpec((t, d), lambda i, j: (i + ib0, 2 * j)),
            pl.BlockSpec((t, d), lambda i, j: (i + ib0, 2 * j + 1)),
            pl.BlockSpec((1, t, d), lambda i, j: (2 * j, i, 0)),
            pl.BlockSpec((1, t, d), lambda i, j: (2 * j + 1, i, 0)),
            pl.BlockSpec((t, d), lambda i, j: (i + ib0, 0)),
            const(d, 2 * d),
            const(1, 2 * d),
            const(2 * d, 2 * d),
            const(1, 2 * d),
            const(d, h),
            const(h, d),
        ],
        out_specs=[
            pl.BlockSpec((t, h), lambda i, j: (i, 0)),
            pl.BlockSpec((t, d), lambda i, j: (i, 0)),
        ],
        out_shape=[
            jax.ShapeDtypeStruct((count, h), _F32),
            jax.ShapeDtypeStruct((count, d), _F32),
        ],
        interpret=interpret,
    )(dist2, dist2, kvg3, kvg3, q,
      pos_W1.astype(jnp.bfloat16), pos_b1.reshape(1, -1),
      pos_W2.astype(jnp.bfloat16), pos_b2.reshape(1, -1),
      jnp.asarray(sel, jnp.bfloat16), jnp.asarray(selt, jnp.bfloat16))


def _p4_body(s_ref, acc_ref, x_ref,
             wo_ref, g2_ref, bb2_ref,
             f1_ref, fb1_ref, f2_ref, fb2_ref,
             selt_ref, out_ref):
    r = 1.0 / s_ref[...]
    r_b = jnp.dot(r.astype(jnp.bfloat16), selt_ref[...],
                  preferred_element_type=_F32)
    agg = acc_ref[...] * r_b
    y1 = x_ref[...] + jnp.dot(agg.astype(jnp.bfloat16), wo_ref[...],
                              preferred_element_type=_F32)
    mu = jnp.mean(y1, axis=-1, keepdims=True)
    var = jnp.mean(jnp.square(y1 - mu), axis=-1, keepdims=True)
    xn2 = (y1 - mu) / jnp.sqrt(var + 1e-5) * g2_ref[...] + bb2_ref[...]
    f = jnp.maximum(
        jnp.dot(xn2.astype(jnp.bfloat16), f1_ref[...],
                preferred_element_type=_F32) + fb1_ref[...], 0.0)
    out_ref[...] = y1 + jnp.dot(f.astype(jnp.bfloat16), f2_ref[...],
                                preferred_element_type=_F32) + fb2_ref[...]


def _p4_call(s, acc, x2, W_out, ln2_g, ln2_b, ff_W1, ff_b1, ff_W2, ff_b2,
             t, off=0, interpret=False):
    n, d = x2.shape
    count = s.shape[0]
    ib0 = off // t
    h = s.shape[1]
    dff = ff_W1.shape[1]
    bf = jnp.bfloat16
    selt = np.repeat(np.eye(h, dtype=np.float32), d // h, axis=0).T.copy()

    const = lambda *shape: pl.BlockSpec(shape, lambda i: (0,) * len(shape))
    return pl.pallas_call(
        _p4_body,
        grid=(count // t,),
        in_specs=[
            pl.BlockSpec((t, h), lambda i: (i, 0)),
            pl.BlockSpec((t, d), lambda i: (i, 0)),
            pl.BlockSpec((t, d), lambda i: (i + ib0, 0)),
            const(d, d),
            const(1, d),
            const(1, d),
            const(d, dff),
            const(1, dff),
            const(dff, d),
            const(1, d),
            const(h, d),
        ],
        out_specs=pl.BlockSpec((t, d), lambda i: (i, 0)),
        out_shape=jax.ShapeDtypeStruct((count, d), _F32),
        interpret=interpret,
    )(s, acc, x2,
      W_out.astype(bf), ln2_g.reshape(1, -1), ln2_b.reshape(1, -1),
      ff_W1.astype(bf), ff_b1.reshape(1, -1), ff_W2.astype(bf),
      ff_b2.reshape(1, -1), jnp.asarray(selt, bf))


def _pick_block(n):
    for t in (5000, 2000, 1000, 400, 200, 80, 40, 16, 8):
        if n % t == 0 and t % 8 == 0:
            return t
    return n


def _pick_block3(n):
    for t in (400, 200, 80, 40, 16, 8):
        if n % t == 0 and t % 8 == 0:
            return t
    return n


def kernel(x, idx, dist, p_len, aa_inf, sep, ln1_g, ln1_b, W_qkv,
           pos_W1, pos_b1, pos_W2, pos_b2, W_out, ln2_g, ln2_b,
           ff_W1, ff_b1, ff_W2, ff_b2):
    b, n, d = x.shape
    j = idx.shape[2]

    x2 = x.reshape(n, d)
    q, kv = _p1_call(x2, ln1_g, ln1_b, W_qkv, _pick_block(n))

    idx_flat = jnp.transpose(idx.reshape(n, j)).reshape(-1).astype(jnp.int32)
    dist2 = dist.reshape(n, j * d)
    nh = n // 2 if n % 2 == 0 else n
    t = min(_pick_block(n), nh)
    outs = []
    for hh in range(n // nh):
        off = hh * nh
        kvg = _sc_gather(kv, idx_flat, chunk=40, off=off, count=nh)
        kvg3 = kvg.reshape(j, nh, d)
        s, acc = _p3_call(dist2, kvg3, q, pos_W1, pos_b1, pos_W2, pos_b2,
                          t=t, off=off, count=nh)
        outs.append(_p4_call(s, acc, x2, W_out, ln2_g, ln2_b,
                             ff_W1, ff_b1, ff_W2, ff_b2, t=t, off=off))
    out = jnp.concatenate(outs, axis=0) if len(outs) > 1 else outs[0]
    return out.reshape(b, n, d)

# --- scband reference (transcript-rebuilt; emitter-appended) ---
"""Pipeline reference for scband-encoder-layer-73263552135579 (READ-ONLY COPY).

The authoritative reference and input builder live on the scoring server;
editing this copy changes nothing except your own understanding.
"""

import jax, jax.numpy as jnp
import numpy as np

B, N, J, D, H = 1, 10000, 32, 128, 8
DK = D // H
DFF = 256

def layer_norm(x, g, b):
    m = jnp.mean(x, axis=-1, keepdims=True)
    v = jnp.var(x, axis=-1, keepdims=True)
    return (x - m) / jnp.sqrt(v + 1e-5) * g + b

def knn_gather(x, idx):
    bi = jnp.arange(x.shape[0])[:, None, None]
    return x[bi, idx]

def setup_inputs(seed: int = 0):
    key = jax.random.key(seed)
    ks = jax.random.split(key, 12)
    s = 0.02
    inp = {}
    inp['x'] = jax.random.normal(ks[0], (B, N, D), jnp.float32)
    inp['idx'] = jax.random.randint(ks[1], (B, N, J), 0, N)
    inp['dist'] = jax.random.normal(ks[2], (B, N, J, D), jnp.float32) * 0.1
    inp['p_len'] = jnp.full((B,), N, dtype=jnp.int32)
    inp['aa_inf'] = jnp.zeros((1,), jnp.float32)
    inp['sep'] = 4
    inp['ln1_g'] = jnp.ones((D,), jnp.float32)
    inp['ln1_b'] = jnp.zeros((D,), jnp.float32)
    inp['W_qkv'] = jax.random.normal(ks[3], (D, 3 * D), jnp.float32) * s
    inp['pos_W1'] = jax.random.normal(ks[4], (D, 2 * D), jnp.float32) * s
    inp['pos_b1'] = jnp.zeros((2 * D,), jnp.float32)
    inp['pos_W2'] = jax.random.normal(ks[5], (2 * D, 2 * D), jnp.float32) * s
    inp['pos_b2'] = jnp.zeros((2 * D,), jnp.float32)
    inp['W_out'] = jax.random.normal(ks[6], (D, D), jnp.float32) * s
    inp['ln2_g'] = jnp.ones((D,), jnp.float32)
    inp['ln2_b'] = jnp.zeros((D,), jnp.float32)
    inp['ff_W1'] = jax.random.normal(ks[7], (D, DFF), jnp.float32) * s
    inp['ff_b1'] = jnp.zeros((DFF,), jnp.float32)
    inp['ff_W2'] = jax.random.normal(ks[8], (DFF, D), jnp.float32) * s
    inp['ff_b2'] = jnp.zeros((D,), jnp.float32)
    return inp

def reference(x, idx, dist, p_len, aa_inf, sep, ln1_g, ln1_b, W_qkv, pos_W1, pos_b1, pos_W2, pos_b2, W_out, ln2_g, ln2_b, ff_W1, ff_b1, ff_W2, ff_b2):
    # PreNorm(EncoderAttention) with value_attn=False, save_memory=True, dropout=eval
    xn = layer_norm(x, ln1_g, ln1_b)
    qkv = xn @ W_qkv
    q, k, v = jnp.split(qkv, 3, axis=2)
    kg = knn_gather(k, idx)
    vg = knn_gather(v, idx)
    pos = jax.nn.relu(dist @ pos_W1 + pos_b1) @ pos_W2 + pos_b2
    pos_q_k, pos_q_v = jnp.split(pos, 2, axis=3)
    b, i, j, _ = vg.shape
    qh = q.reshape(b, i, H, DK)
    kh = (kg + pos_q_k).reshape(b, i, j, H, DK)
    attn = jnp.einsum('bihd,bijhd->bijh', qh, kh) * (DK ** -0.5)
    attn = jax.nn.softmax(attn, axis=2)
    vh = (vg + pos_q_v).reshape(b, i, j, H, DK)
    agg = jnp.einsum('bijh,bijhd->bihd', attn, vh).reshape(b, i, -1)
    x = x + agg @ W_out
    # PreNorm(PositionwiseFeedForward), gate=False
    xn2 = layer_norm(x, ln2_g, ln2_b)
    ff = jax.nn.relu(xn2 @ ff_W1 + ff_b1) @ ff_W2 + ff_b2
    return x + ff

if __name__ == "__main__":
    import jax
    _d = setup_inputs()
    print(jax.jit(kernel)(*tuple(_d.values())))

</pallas_src>

<mosaic_0001>
#map = affine_map<(d0, d1) -> (0, 0)>
#map1 = affine_map<(d0, d1) -> (0)>
module attributes {stable_mosaic.version = 14 : i64} {
  func.func @k(%arg0: i32, %arg1: i32, %arg2: memref<10000x128xi32, #tpu.memory_space<hbm>>, %arg3: memref<320000xi32, #tpu.memory_space<hbm>>, %arg4: memref<160000x128xi32, #tpu.memory_space<hbm>>, %arg5: memref<5000xi32, #tpu.memory_space<vmem>>, %arg6: memref<40x128xi32, #tpu.memory_space<vmem>>, %arg7: memref<40x128xi32, #tpu.memory_space<vmem>>, %arg8: memref<!tpu.dma_semaphore, #tpu.memory_space<semaphore_mem>>, %arg9: memref<!tpu.dma_semaphore, #tpu.memory_space<semaphore_mem>>) attributes {dimension_semantics = [#tpu.dimension_semantics<core_parallel>, #tpu.dimension_semantics<subcore_parallel>], iteration_bounds = array<i64: 2, 16>, scalar_prefetch = 0 : i64, scratch_operands = 5 : i64, tpu.core_type = #tpu.core_type<sc_vector_subcore>, window_params = [{transform_indices = #map}, {transform_indices = #map1}, {transform_indices = #map}]} {
    %mul3A = arith.constant 2 : i32
    %mul3A_0 = arith.muli %arg1, %mul3A : i32
    %add3A = arith.addi %mul3A_0, %arg0 : i32
    %mul3A_1 = arith.constant 5000 : i32
    %mul3A_2 = arith.muli %add3A, %mul3A_1 : i32
    %mul3A_3 = arith.constant 10000 : i32
    %mul3A_4 = arith.muli %add3A, %mul3A_3 : i32
    %add3A_5 = arith.constant 0 : i32
    %add3A_6 = arith.addi %mul3A_4, %add3A_5 : i32
    "tpu.region"() ({
      %run_scoped3A = tpu.sem_alloc : memref<!tpu.dma_semaphore, #tpu.memory_space<semaphore_mem>>
      %dma_start3A_22 = tpu.memref_slice %arg3[%add3A_6] : memref<320000xi32, #tpu.memory_space<hbm>> -> memref<5000xi32, #tpu.memory_space<hbm>>
      %dma_start3A_23 = tpu.memref_slice %arg3[%add3A_6] : memref<320000xi32, #tpu.memory_space<hbm>> -> memref<5000xi32, #tpu.memory_space<hbm>>
      tpu.enqueue_dma source(%dma_start3A_23 : memref<5000xi32, #tpu.memory_space<hbm>>) target(%arg5 : memref<5000xi32, #tpu.memory_space<vmem>>) target_semaphore(%run_scoped3A : memref<!tpu.dma_semaphore, #tpu.memory_space<semaphore_mem>>)
      %dma_wait3A_24 = tpu.memref_slice %arg3[%add3A_6] : memref<320000xi32, #tpu.memory_space<hbm>> -> memref<5000xi32, #tpu.memory_space<hbm>>
      %dma_wait3A_25 = tpu.memref_slice %arg3[%add3A_6] : memref<320000xi32, #tpu.memory_space<hbm>> -> memref<5000xi32, #tpu.memory_space<hbm>>
      tpu.wait_dma2 semaphore(%run_scoped3A : memref<!tpu.dma_semaphore, #tpu.memory_space<semaphore_mem>>) src(%dma_wait3A_25 : memref<5000xi32, #tpu.memory_space<hbm>>) dst(%arg5 : memref<5000xi32, #tpu.memory_space<vmem>>)
      tpu.yield
    }) : () -> ()
    %dma_start3A = arith.constant 0 : i32
    %dma_start3A_7 = tpu.memref_slice %arg5[%dma_start3A] : memref<5000xi32, #tpu.memory_space<vmem>> -> memref<40xi32, #tpu.memory_space<vmem>>
    %dma_start3A_8 = arith.constant 0 : i32
    %dma_start3A_9 = arith.constant 0 : i32
    %dma_start3A_10 = tpu.memref_slice %arg2[%dma_start3A_8, %dma_start3A_9] : memref<10000x128xi32, #tpu.memory_space<hbm>> -> memref<10000x128xi32, #tpu.memory_space<hbm>>
    tpu.enqueue_indirect_dma source(%dma_start3A_10 : memref<10000x128xi32, #tpu.memory_space<hbm>>) target(%arg6 : memref<40x128xi32, #tpu.memory_space<vmem>>) offsets(%dma_start3A_7 : memref<40xi32, #tpu.memory_space<vmem>>) semaphore(%arg8 : memref<!tpu.dma_semaphore, #tpu.memory_space<semaphore_mem>>)
    %scan3A = arith.constant 0 : i32
    %scan3A_11 = arith.constant 0 : i32
    %scan3A_12 = arith.constant 62 : i32
    %scan3A_13 = arith.addi %scan3A_11, %scan3A_12 : i32
    %scan3A_14 = arith.constant 1 : i32
    scf.for %scan3A_22 = %scan3A_11 to %scan3A_13 step %scan3A_14  : i32 {
      %mul3A_23 = arith.constant 2 : i32
      %mul3A_24 = arith.muli %mul3A_23, %scan3A_22 : i32
      %add3A_25 = arith.constant 1 : i32
      %add3A_26 = arith.addi %mul3A_24, %add3A_25 : i32
      %mul3A_27 = arith.constant 40 : i32
      %mul3A_28 = arith.muli %add3A_26, %mul3A_27 : i32
      %dma_start3A_29 = tpu.memref_slice %arg5[%mul3A_28] : memref<5000xi32, #tpu.memory_space<vmem>> -> memref<40xi32, #tpu.memory_space<vmem>>
      %dma_start3A_30 = arith.constant 0 : i32
      %dma_start3A_31 = arith.constant 0 : i32
      %dma_start3A_32 = tpu.memref_slice %arg2[%dma_start3A_30, %dma_start3A_31] : memref<10000x128xi32, #tpu.memory_space<hbm>> -> memref<10000x128xi32, #tpu.memory_space<hbm>>
      tpu.enqueue_indirect_dma source(%dma_start3A_32 : memref<10000x128xi32, #tpu.memory_space<hbm>>) target(%arg7 : memref<40x128xi32, #tpu.memory_space<vmem>>) offsets(%dma_start3A_29 : memref<40xi32, #tpu.memory_space<vmem>>) semaphore(%arg9 : memref<!tpu.dma_semaphore, #tpu.memory_space<semaphore_mem>>)
      %dma_wait3A_33 = arith.constant 0 : i32
      %dma_wait3A_34 = tpu.memref_slice %arg5[%dma_wait3A_33] : memref<5000xi32, #tpu.memory_space<vmem>> -> memref<40xi32, #tpu.memory_space<vmem>>
      %dma_wait3A_35 = arith.constant 0 : i32
      %dma_wait3A_36 = arith.constant 0 : i32
      %dma_wait3A_37 = tpu.memref_slice %arg2[%dma_wait3A_35, %dma_wait3A_36] : memref<10000x128xi32, #tpu.memory_space<hbm>> -> memref<10000x128xi32, #tpu.memory_space<hbm>>
      tpu.wait_indirect_dma semaphore(%arg8 : memref<!tpu.dma_semaphore, #tpu.memory_space<semaphore_mem>>) src(%dma_wait3A_37 : memref<10000x128xi32, #tpu.memory_space<hbm>>) dst(%arg6 : memref<40x128xi32, #tpu.memory_space<vmem>>)
      %mul3A_38 = arith.constant 40 : i32
      %mul3A_39 = arith.muli %mul3A_24, %mul3A_38 : i32
      %add3A_40 = arith.addi %mul3A_2, %mul3A_39 : i32
      "tpu.region"() ({
        %run_scoped3A = tpu.sem_alloc : memref<!tpu.dma_semaphore, #tpu.memory_space<semaphore_mem>>
        %dma_start3A_59 = arith.constant 0 : i32
        %dma_start3A_60 = tpu.memref_slice %arg4[%add3A_40, %dma_start3A_59] : memref<160000x128xi32, #tpu.memory_space<hbm>> -> memref<40x128xi32, #tpu.memory_space<hbm>>
        %dma_start3A_61 = arith.constant 0 : i32
        %dma_start3A_62 = tpu.memref_slice %arg4[%add3A_40, %dma_start3A_61] : memref<160000x128xi32, #tpu.memory_space<hbm>> -> memref<40x128xi32, #tpu.memory_space<hbm>>
        tpu.enqueue_dma source(%arg6 : memref<40x128xi32, #tpu.memory_space<vmem>>) target(%dma_start3A_62 : memref<40x128xi32, #tpu.memory_space<hbm>>) target_semaphore(%run_scoped3A : memref<!tpu.dma_semaphore, #tpu.memory_space<semaphore_mem>>)
        %dma_wait3A_63 = arith.constant 0 : i32
        %dma_wait3A_64 = tpu.memref_slice %arg4[%add3A_40, %dma_wait3A_63] : memref<160000x128xi32, #tpu.memory_space<hbm>> -> memref<40x128xi32, #tpu.memory_space<hbm>>
        %dma_wait3A_65 = arith.constant 0 : i32
        %dma_wait3A_66 = tpu.memref_slice %arg4[%add3A_40, %dma_wait3A_65] : memref<160000x128xi32, #tpu.memory_space<hbm>> -> memref<40x128xi32, #tpu.memory_space<hbm>>
        tpu.wait_dma2 semaphore(%run_scoped3A : memref<!tpu.dma_semaphore, #tpu.memory_space<semaphore_mem>>) src(%arg6 : memref<40x128xi32, #tpu.memory_space<vmem>>) dst(%dma_wait3A_66 : memref<40x128xi32, #tpu.memory_space<hbm>>)
        tpu.yield
      }) : () -> ()
      %add3A_41 = arith.constant 2 : i32
      %add3A_42 = arith.addi %mul3A_24, %add3A_41 : i32
      %mul3A_43 = arith.constant 40 : i32
      %mul3A_44 = arith.muli %add3A_42, %mul3A_43 : i32
      %dma_start3A_45 = tpu.memref_slice %arg5[%mul3A_44] : memref<5000xi32, #tpu.memory_space<vmem>> -> memref<40xi32, #tpu.memory_space<vmem>>
      %dma_start3A_46 = arith.constant 0 : i32
      %dma_start3A_47 = arith.constant 0 : i32
      %dma_start3A_48 = tpu.memref_slice %arg2[%dma_start3A_46, %dma_start3A_47] : memref<10000x128xi32, #tpu.memory_space<hbm>> -> memref<10000x128xi32, #tpu.memory_space<hbm>>
      tpu.enqueue_indirect_dma source(%dma_start3A_48 : memref<10000x128xi32, #tpu.memory_space<hbm>>) target(%arg6 : memref<40x128xi32, #tpu.memory_space<vmem>>) offsets(%dma_start3A_45 : memref<40xi32, #tpu.memory_space<vmem>>) semaphore(%arg8 : memref<!tpu.dma_semaphore, #tpu.memory_space<semaphore_mem>>)
      %dma_wait3A_49 = arith.constant 0 : i32
      %dma_wait3A_50 = tpu.memref_slice %arg5[%dma_wait3A_49] : memref<5000xi32, #tpu.memory_space<vmem>> -> memref<40xi32, #tpu.memory_space<vmem>>
      %dma_wait3A_51 = arith.constant 0 : i32
      %dma_wait3A_52 = arith.constant 0 : i32
      %dma_wait3A_53 = tpu.memref_slice %arg2[%dma_wait3A_51, %dma_wait3A_52] : memref<10000x128xi32, #tpu.memory_space<hbm>> -> memref<10000x128xi32, #tpu.memory_space<hbm>>
      tpu.wait_indirect_dma semaphore(%arg9 : memref<!tpu.dma_semaphore, #tpu.memory_space<semaphore_mem>>) src(%dma_wait3A_53 : memref<10000x128xi32, #tpu.memory_space<hbm>>) dst(%arg7 : memref<40x128xi32, #tpu.memory_space<vmem>>)
      %add3A_54 = arith.constant 1 : i32
      %add3A_55 = arith.addi %mul3A_24, %add3A_54 : i32
      %mul3A_56 = arith.constant 40 : i32
      %mul3A_57 = arith.muli %add3A_55, %mul3A_56 : i32
      %add3A_58 = arith.addi %mul3A_2, %mul3A_57 : i32
      "tpu.region"() ({
        %run_scoped3A = tpu.sem_alloc : memref<!tpu.dma_semaphore, #tpu.memory_space<semaphore_mem>>
        %dma_start3A_59 = arith.constant 0 : i32
        %dma_start3A_60 = tpu.memref_slice %arg4[%add3A_58, %dma_start3A_59] : memref<160000x128xi32, #tpu.memory_space<hbm>> -> memref<40x128xi32, #tpu.memory_space<hbm>>
        %dma_start3A_61 = arith.constant 0 : i32
        %dma_start3A_62 = tpu.memref_slice %arg4[%add3A_58, %dma_start3A_61] : memref<160000x128xi32, #tpu.memory_space<hbm>> -> memref<40x128xi32, #tpu.memory_space<hbm>>
        tpu.enqueue_dma source(%arg7 : memref<40x128xi32, #tpu.memory_space<vmem>>) target(%dma_start3A_62 : memref<40x128xi32, #tpu.memory_space<hbm>>) target_semaphore(%run_scoped3A : memref<!tpu.dma_semaphore, #tpu.memory_space<semaphore_mem>>)
        %dma_wait3A_63 = arith.constant 0 : i32
        %dma_wait3A_64 = tpu.memref_slice %arg4[%add3A_58, %dma_wait3A_63] : memref<160000x128xi32, #tpu.memory_space<hbm>> -> memref<40x128xi32, #tpu.memory_space<hbm>>
        %dma_wait3A_65 = arith.constant 0 : i32
        %dma_wait3A_66 = tpu.memref_slice %arg4[%add3A_58, %dma_wait3A_65] : memref<160000x128xi32, #tpu.memory_space<hbm>> -> memref<40x128xi32, #tpu.memory_space<hbm>>
        tpu.wait_dma2 semaphore(%run_scoped3A : memref<!tpu.dma_semaphore, #tpu.memory_space<semaphore_mem>>) src(%arg7 : memref<40x128xi32, #tpu.memory_space<vmem>>) dst(%dma_wait3A_66 : memref<40x128xi32, #tpu.memory_space<hbm>>)
        tpu.yield
      }) : () -> ()
    }
    %scan3A_15 = arith.constant 62 : i32
    %dma_wait3A = arith.constant 0 : i32
    %dma_wait3A_16 = tpu.memref_slice %arg5[%dma_wait3A] : memref<5000xi32, #tpu.memory_space<vmem>> -> memref<40xi32, #tpu.memory_space<vmem>>
    %dma_wait3A_17 = arith.constant 0 : i32
    %dma_wait3A_18 = arith.constant 0 : i32
    %dma_wait3A_19 = tpu.memref_slice %arg2[%dma_wait3A_17, %dma_wait3A_18] : memref<10000x128xi32, #tpu.memory_space<hbm>> -> memref<10000x128xi32, #tpu.memory_space<hbm>>
    tpu.wait_indirect_dma semaphore(%arg8 : memref<!tpu.dma_semaphore, #tpu.memory_space<semaphore_mem>>) src(%dma_wait3A_19 : memref<10000x128xi32, #tpu.memory_space<hbm>>) dst(%arg6 : memref<40x128xi32, #tpu.memory_space<vmem>>)
    %add3A_20 = arith.constant 4960 : i32
    %add3A_21 = arith.addi %mul3A_2, %add3A_20 : i32
    "tpu.region"() ({
      %run_scoped3A = tpu.sem_alloc : memref<!tpu.dma_semaphore, #tpu.memory_space<semaphore_mem>>
      %dma_start3A_22 = arith.constant 0 : i32
      %dma_start3A_23 = tpu.memref_slice %arg4[%add3A_21, %dma_start3A_22] : memref<160000x128xi32, #tpu.memory_space<hbm>> -> memref<40x128xi32, #tpu.memory_space<hbm>>
      %dma_start3A_24 = arith.constant 0 : i32
      %dma_start3A_25 = tpu.memref_slice %arg4[%add3A_21, %dma_start3A_24] : memref<160000x128xi32, #tpu.memory_space<hbm>> -> memref<40x128xi32, #tpu.memory_space<hbm>>
      tpu.enqueue_dma source(%arg6 : memref<40x128xi32, #tpu.memory_space<vmem>>) target(%dma_start3A_25 : memref<40x128xi32, #tpu.memory_space<hbm>>) target_semaphore(%run_scoped3A : memref<!tpu.dma_semaphore, #tpu.memory_space<semaphore_mem>>)
      %dma_wait3A_26 = arith.constant 0 : i32
      %dma_wait3A_27 = tpu.memref_slice %arg4[%add3A_21, %dma_wait3A_26] : memref<160000x128xi32, #tpu.memory_space<hbm>> -> memref<40x128xi32, #tpu.memory_space<hbm>>
      %dma_wait3A_28 = arith.constant 0 : i32
      %dma_wait3A_29 = tpu.memref_slice %arg4[%add3A_21, %dma_wait3A_28] : memref<160000x128xi32, #tpu.memory_space<hbm>> -> memref<40x128xi32, #tpu.memory_space<hbm>>
      tpu.wait_dma2 semaphore(%run_scoped3A : memref<!tpu.dma_semaphore, #tpu.memory_space<semaphore_mem>>) src(%arg6 : memref<40x128xi32, #tpu.memory_space<vmem>>) dst(%dma_wait3A_29 : memref<40x128xi32, #tpu.memory_space<hbm>>)
      tpu.yield
    }) : () -> ()
    return
  }
}

#map = affine_map<(d0, d1) -> (0, 0)>
#map1 = affine_map<(d0, d1) -> (0)>
module attributes {stable_mosaic.version = 14 : i64} {
  func.func @k(%arg0: i32, %arg1: i32, %arg2: memref<10000x128xi32, #tpu.memory_space<hbm>>, %arg3: memref<320000xi32, #tpu.memory_space<hbm>>, %arg4: memref<160000x128xi32, #tpu.memory_space<hbm>>, %arg5: memref<5000xi32, #tpu.memory_space<vmem>>, %arg6: memref<40x128xi32, #tpu.memory_space<vmem>>, %arg7: memref<40x128xi32, #tpu.memory_space<vmem>>, %arg8: memref<!tpu.dma_semaphore, #tpu.memory_space<semaphore_mem>>, %arg9: memref<!tpu.dma_semaphore, #tpu.memory_space<semaphore_mem>>) attributes {dimension_semantics = [#tpu.dimension_semantics<core_parallel>, #tpu.dimension_semantics<subcore_parallel>], iteration_bounds = array<i64: 2, 16>, scalar_prefetch = 0 : i64, scratch_operands = 5 : i64, tpu.core_type = #tpu.core_type<sc_vector_subcore>, window_params = [{transform_indices = #map}, {transform_indices = #map1}, {transform_indices = #map}]} {
    %mul3A = arith.constant 2 : i32
    %mul3A_0 = arith.muli %arg1, %mul3A : i32
    %add3A = arith.addi %mul3A_0, %arg0 : i32
    %mul3A_1 = arith.constant 5000 : i32
    %mul3A_2 = arith.muli %add3A, %mul3A_1 : i32
    %mul3A_3 = arith.constant 10000 : i32
    %mul3A_4 = arith.muli %add3A, %mul3A_3 : i32
    %add3A_5 = arith.constant 5000 : i32
    %add3A_6 = arith.addi %mul3A_4, %add3A_5 : i32
    "tpu.region"() ({
      %run_scoped3A = tpu.sem_alloc : memref<!tpu.dma_semaphore, #tpu.memory_space<semaphore_mem>>
      %dma_start3A_22 = tpu.memref_slice %arg3[%add3A_6] : memref<320000xi32, #tpu.memory_space<hbm>> -> memref<5000xi32, #tpu.memory_space<hbm>>
      %dma_start3A_23 = tpu.memref_slice %arg3[%add3A_6] : memref<320000xi32, #tpu.memory_space<hbm>> -> memref<5000xi32, #tpu.memory_space<hbm>>
      tpu.enqueue_dma source(%dma_start3A_23 : memref<5000xi32, #tpu.memory_space<hbm>>) target(%arg5 : memref<5000xi32, #tpu.memory_space<vmem>>) target_semaphore(%run_scoped3A : memref<!tpu.dma_semaphore, #tpu.memory_space<semaphore_mem>>)
      %dma_wait3A_24 = tpu.memref_slice %arg3[%add3A_6] : memref<320000xi32, #tpu.memory_space<hbm>> -> memref<5000xi32, #tpu.memory_space<hbm>>
      %dma_wait3A_25 = tpu.memref_slice %arg3[%add3A_6] : memref<320000xi32, #tpu.memory_space<hbm>> -> memref<5000xi32, #tpu.memory_space<hbm>>
      tpu.wait_dma2 semaphore(%run_scoped3A : memref<!tpu.dma_semaphore, #tpu.memory_space<semaphore_mem>>) src(%dma_wait3A_25 : memref<5000xi32, #tpu.memory_space<hbm>>) dst(%arg5 : memref<5000xi32, #tpu.memory_space<vmem>>)
      tpu.yield
    }) : () -> ()
    %dma_start3A = arith.constant 0 : i32
    %dma_start3A_7 = tpu.memref_slice %arg5[%dma_start3A] : memref<5000xi32, #tpu.memory_space<vmem>> -> memref<40xi32, #tpu.memory_space<vmem>>
    %dma_start3A_8 = arith.constant 0 : i32
    %dma_start3A_9 = arith.constant 0 : i32
    %dma_start3A_10 = tpu.memref_slice %arg2[%dma_start3A_8, %dma_start3A_9] : memref<10000x128xi32, #tpu.memory_space<hbm>> -> memref<10000x128xi32, #tpu.memory_space<hbm>>
    tpu.enqueue_indirect_dma source(%dma_start3A_10 : memref<10000x128xi32, #tpu.memory_space<hbm>>) target(%arg6 : memref<40x128xi32, #tpu.memory_space<vmem>>) offsets(%dma_start3A_7 : memref<40xi32, #tpu.memory_space<vmem>>) semaphore(%arg8 : memref<!tpu.dma_semaphore, #tpu.memory_space<semaphore_mem>>)
    %scan3A = arith.constant 0 : i32
    %scan3A_11 = arith.constant 0 : i32
    %scan3A_12 = arith.constant 62 : i32
    %scan3A_13 = arith.addi %scan3A_11, %scan3A_12 : i32
    %scan3A_14 = arith.constant 1 : i32
    scf.for %scan3A_22 = %scan3A_11 to %scan3A_13 step %scan3A_14  : i32 {
      %mul3A_23 = arith.constant 2 : i32
      %mul3A_24 = arith.muli %mul3A_23, %scan3A_22 : i32
      %add3A_25 = arith.constant 1 : i32
      %add3A_26 = arith.addi %mul3A_24, %add3A_25 : i32
      %mul3A_27 = arith.constant 40 : i32
      %mul3A_28 = arith.muli %add3A_26, %mul3A_27 : i32
      %dma_start3A_29 = tpu.memref_slice %arg5[%mul3A_28] : memref<5000xi32, #tpu.memory_space<vmem>> -> memref<40xi32, #tpu.memory_space<vmem>>
      %dma_start3A_30 = arith.constant 0 : i32
      %dma_start3A_31 = arith.constant 0 : i32
      %dma_start3A_32 = tpu.memref_slice %arg2[%dma_start3A_30, %dma_start3A_31] : memref<10000x128xi32, #tpu.memory_space<hbm>> -> memref<10000x128xi32, #tpu.memory_space<hbm>>
      tpu.enqueue_indirect_dma source(%dma_start3A_32 : memref<10000x128xi32, #tpu.memory_space<hbm>>) target(%arg7 : memref<40x128xi32, #tpu.memory_space<vmem>>) offsets(%dma_start3A_29 : memref<40xi32, #tpu.memory_space<vmem>>) semaphore(%arg9 : memref<!tpu.dma_semaphore, #tpu.memory_space<semaphore_mem>>)
      %dma_wait3A_33 = arith.constant 0 : i32
      %dma_wait3A_34 = tpu.memref_slice %arg5[%dma_wait3A_33] : memref<5000xi32, #tpu.memory_space<vmem>> -> memref<40xi32, #tpu.memory_space<vmem>>
      %dma_wait3A_35 = arith.constant 0 : i32
      %dma_wait3A_36 = arith.constant 0 : i32
      %dma_wait3A_37 = tpu.memref_slice %arg2[%dma_wait3A_35, %dma_wait3A_36] : memref<10000x128xi32, #tpu.memory_space<hbm>> -> memref<10000x128xi32, #tpu.memory_space<hbm>>
      tpu.wait_indirect_dma semaphore(%arg8 : memref<!tpu.dma_semaphore, #tpu.memory_space<semaphore_mem>>) src(%dma_wait3A_37 : memref<10000x128xi32, #tpu.memory_space<hbm>>) dst(%arg6 : memref<40x128xi32, #tpu.memory_space<vmem>>)
      %mul3A_38 = arith.constant 40 : i32
      %mul3A_39 = arith.muli %mul3A_24, %mul3A_38 : i32
      %add3A_40 = arith.addi %mul3A_2, %mul3A_39 : i32
      "tpu.region"() ({
        %run_scoped3A = tpu.sem_alloc : memref<!tpu.dma_semaphore, #tpu.memory_space<semaphore_mem>>
        %dma_start3A_59 = arith.constant 0 : i32
        %dma_start3A_60 = tpu.memref_slice %arg4[%add3A_40, %dma_start3A_59] : memref<160000x128xi32, #tpu.memory_space<hbm>> -> memref<40x128xi32, #tpu.memory_space<hbm>>
        %dma_start3A_61 = arith.constant 0 : i32
        %dma_start3A_62 = tpu.memref_slice %arg4[%add3A_40, %dma_start3A_61] : memref<160000x128xi32, #tpu.memory_space<hbm>> -> memref<40x128xi32, #tpu.memory_space<hbm>>
        tpu.enqueue_dma source(%arg6 : memref<40x128xi32, #tpu.memory_space<vmem>>) target(%dma_start3A_62 : memref<40x128xi32, #tpu.memory_space<hbm>>) target_semaphore(%run_scoped3A : memref<!tpu.dma_semaphore, #tpu.memory_space<semaphore_mem>>)
        %dma_wait3A_63 = arith.constant 0 : i32
        %dma_wait3A_64 = tpu.memref_slice %arg4[%add3A_40, %dma_wait3A_63] : memref<160000x128xi32, #tpu.memory_space<hbm>> -> memref<40x128xi32, #tpu.memory_space<hbm>>
        %dma_wait3A_65 = arith.constant 0 : i32
        %dma_wait3A_66 = tpu.memref_slice %arg4[%add3A_40, %dma_wait3A_65] : memref<160000x128xi32, #tpu.memory_space<hbm>> -> memref<40x128xi32, #tpu.memory_space<hbm>>
        tpu.wait_dma2 semaphore(%run_scoped3A : memref<!tpu.dma_semaphore, #tpu.memory_space<semaphore_mem>>) src(%arg6 : memref<40x128xi32, #tpu.memory_space<vmem>>) dst(%dma_wait3A_66 : memref<40x128xi32, #tpu.memory_space<hbm>>)
        tpu.yield
      }) : () -> ()
      %add3A_41 = arith.constant 2 : i32
      %add3A_42 = arith.addi %mul3A_24, %add3A_41 : i32
      %mul3A_43 = arith.constant 40 : i32
      %mul3A_44 = arith.muli %add3A_42, %mul3A_43 : i32
      %dma_start3A_45 = tpu.memref_slice %arg5[%mul3A_44] : memref<5000xi32, #tpu.memory_space<vmem>> -> memref<40xi32, #tpu.memory_space<vmem>>
      %dma_start3A_46 = arith.constant 0 : i32
      %dma_start3A_47 = arith.constant 0 : i32
      %dma_start3A_48 = tpu.memref_slice %arg2[%dma_start3A_46, %dma_start3A_47] : memref<10000x128xi32, #tpu.memory_space<hbm>> -> memref<10000x128xi32, #tpu.memory_space<hbm>>
      tpu.enqueue_indirect_dma source(%dma_start3A_48 : memref<10000x128xi32, #tpu.memory_space<hbm>>) target(%arg6 : memref<40x128xi32, #tpu.memory_space<vmem>>) offsets(%dma_start3A_45 : memref<40xi32, #tpu.memory_space<vmem>>) semaphore(%arg8 : memref<!tpu.dma_semaphore, #tpu.memory_space<semaphore_mem>>)
      %dma_wait3A_49 = arith.constant 0 : i32
      %dma_wait3A_50 = tpu.memref_slice %arg5[%dma_wait3A_49] : memref<5000xi32, #tpu.memory_space<vmem>> -> memref<40xi32, #tpu.memory_space<vmem>>
      %dma_wait3A_51 = arith.constant 0 : i32
      %dma_wait3A_52 = arith.constant 0 : i32
      %dma_wait3A_53 = tpu.memref_slice %arg2[%dma_wait3A_51, %dma_wait3A_52] : memref<10000x128xi32, #tpu.memory_space<hbm>> -> memref<10000x128xi32, #tpu.memory_space<hbm>>
      tpu.wait_indirect_dma semaphore(%arg9 : memref<!tpu.dma_semaphore, #tpu.memory_space<semaphore_mem>>) src(%dma_wait3A_53 : memref<10000x128xi32, #tpu.memory_space<hbm>>) dst(%arg7 : memref<40x128xi32, #tpu.memory_space<vmem>>)
      %add3A_54 = arith.constant 1 : i32
      %add3A_55 = arith.addi %mul3A_24, %add3A_54 : i32
      %mul3A_56 = arith.constant 40 : i32
      %mul3A_57 = arith.muli %add3A_55, %mul3A_56 : i32
      %add3A_58 = arith.addi %mul3A_2, %mul3A_57 : i32
      "tpu.region"() ({
        %run_scoped3A = tpu.sem_alloc : memref<!tpu.dma_semaphore, #tpu.memory_space<semaphore_mem>>
        %dma_start3A_59 = arith.constant 0 : i32
        %dma_start3A_60 = tpu.memref_slice %arg4[%add3A_58, %dma_start3A_59] : memref<160000x128xi32, #tpu.memory_space<hbm>> -> memref<40x128xi32, #tpu.memory_space<hbm>>
        %dma_start3A_61 = arith.constant 0 : i32
        %dma_start3A_62 = tpu.memref_slice %arg4[%add3A_58, %dma_start3A_61] : memref<160000x128xi32, #tpu.memory_space<hbm>> -> memref<40x128xi32, #tpu.memory_space<hbm>>
        tpu.enqueue_dma source(%arg7 : memref<40x128xi32, #tpu.memory_space<vmem>>) target(%dma_start3A_62 : memref<40x128xi32, #tpu.memory_space<hbm>>) target_semaphore(%run_scoped3A : memref<!tpu.dma_semaphore, #tpu.memory_space<semaphore_mem>>)
        %dma_wait3A_63 = arith.constant 0 : i32
        %dma_wait3A_64 = tpu.memref_slice %arg4[%add3A_58, %dma_wait3A_63] : memref<160000x128xi32, #tpu.memory_space<hbm>> -> memref<40x128xi32, #tpu.memory_space<hbm>>
        %dma_wait3A_65 = arith.constant 0 : i32
        %dma_wait3A_66 = tpu.memref_slice %arg4[%add3A_58, %dma_wait3A_65] : memref<160000x128xi32, #tpu.memory_space<hbm>> -> memref<40x128xi32, #tpu.memory_space<hbm>>
        tpu.wait_dma2 semaphore(%run_scoped3A : memref<!tpu.dma_semaphore, #tpu.memory_space<semaphore_mem>>) src(%arg7 : memref<40x128xi32, #tpu.memory_space<vmem>>) dst(%dma_wait3A_66 : memref<40x128xi32, #tpu.memory_space<hbm>>)
        tpu.yield
      }) : () -> ()
    }
    %scan3A_15 = arith.constant 62 : i32
    %dma_wait3A = arith.constant 0 : i32
    %dma_wait3A_16 = tpu.memref_slice %arg5[%dma_wait3A] : memref<5000xi32, #tpu.memory_space<vmem>> -> memref<40xi32, #tpu.memory_space<vmem>>
    %dma_wait3A_17 = arith.constant 0 : i32
    %dma_wait3A_18 = arith.constant 0 : i32
    %dma_wait3A_19 = tpu.memref_slice %arg2[%dma_wait3A_17, %dma_wait3A_18] : memref<10000x128xi32, #tpu.memory_space<hbm>> -> memref<10000x128xi32, #tpu.memory_space<hbm>>
    tpu.wait_indirect_dma semaphore(%arg8 : memref<!tpu.dma_semaphore, #tpu.memory_space<semaphore_mem>>) src(%dma_wait3A_19 : memref<10000x128xi32, #tpu.memory_space<hbm>>) dst(%arg6 : memref<40x128xi32, #tpu.memory_space<vmem>>)
    %add3A_20 = arith.constant 4960 : i32
    %add3A_21 = arith.addi %mul3A_2, %add3A_20 : i32
    "tpu.region"() ({
      %run_scoped3A = tpu.sem_alloc : memref<!tpu.dma_semaphore, #tpu.memory_space<semaphore_mem>>
      %dma_start3A_22 = arith.constant 0 : i32
      %dma_start3A_23 = tpu.memref_slice %arg4[%add3A_21, %dma_start3A_22] : memref<160000x128xi32, #tpu.memory_space<hbm>> -> memref<40x128xi32, #tpu.memory_space<hbm>>
      %dma_start3A_24 = arith.constant 0 : i32
      %dma_start3A_25 = tpu.memref_slice %arg4[%add3A_21, %dma_start3A_24] : memref<160000x128xi32, #tpu.memory_space<hbm>> -> memref<40x128xi32, #tpu.memory_space<hbm>>
      tpu.enqueue_dma source(%arg6 : memref<40x128xi32, #tpu.memory_space<vmem>>) target(%dma_start3A_25 : memref<40x128xi32, #tpu.memory_space<hbm>>) target_semaphore(%run_scoped3A : memref<!tpu.dma_semaphore, #tpu.memory_space<semaphore_mem>>)
      %dma_wait3A_26 = arith.constant 0 : i32
      %dma_wait3A_27 = tpu.memref_slice %arg4[%add3A_21, %dma_wait3A_26] : memref<160000x128xi32, #tpu.memory_space<hbm>> -> memref<40x128xi32, #tpu.memory_space<hbm>>
      %dma_wait3A_28 = arith.constant 0 : i32
      %dma_wait3A_29 = tpu.memref_slice %arg4[%add3A_21, %dma_wait3A_28] : memref<160000x128xi32, #tpu.memory_space<hbm>> -> memref<40x128xi32, #tpu.memory_space<hbm>>
      tpu.wait_dma2 semaphore(%run_scoped3A : memref<!tpu.dma_semaphore, #tpu.memory_space<semaphore_mem>>) src(%arg6 : memref<40x128xi32, #tpu.memory_space<vmem>>) dst(%dma_wait3A_29 : memref<40x128xi32, #tpu.memory_space<hbm>>)
      tpu.yield
    }) : () -> ()
    return
  }
}

module attributes {stable_mosaic.version = 14 : i64} {
  func.func @_p1_body(%arg0: i32, %arg1: memref<5000x128xf32, #tpu.memory_space<vmem>>, %arg2: memref<1x128xf32, #tpu.memory_space<vmem>>, %arg3: memref<1x128xf32, #tpu.memory_space<vmem>>, %arg4: memref<128x384xf32, #tpu.memory_space<vmem>>, %arg5: memref<5000x128xf32, #tpu.memory_space<vmem>>, %arg6: memref<5000x128xi32, #tpu.memory_space<vmem>>) attributes {dimension_semantics = [#tpu.dimension_semantics<arbitrary>], iteration_bounds = array<i64: 2>, scalar_prefetch = 0 : i64, scratch_operands = 0 : i64, tpu.core_type = #tpu.core_type<tc>, window_params = [{transform_indices = @transform_0, window_bounds = array<i64: 5000, 128>}, {pipeline_mode = #tpu.pipeline_mode<synchronous>, transform_indices = @transform_1, window_bounds = array<i64: 1, 128>}, {pipeline_mode = #tpu.pipeline_mode<synchronous>, transform_indices = @transform_2, window_bounds = array<i64: 1, 128>}, {pipeline_mode = #tpu.pipeline_mode<synchronous>, transform_indices = @transform_3, window_bounds = array<i64: 128, 384>}, {transform_indices = @transform_4, window_bounds = array<i64: 5000, 128>}, {transform_indices = @transform_5, window_bounds = array<i64: 5000, 128>}]} {
    %get3A = arith.constant 0 : index
    %get3A_0 = arith.constant 0 : index
    %get3A_1 = vector.load %arg1[%get3A, %get3A_0] : memref<5000x128xf32, #tpu.memory_space<vmem>>, vector<5000x128xf32>
    %reduce_sum3A = arith.constant dense<0.000000e+00> : vector<5000xf32>
    %reduce_sum3A_2 = vector.multi_reduction <add>, %get3A_1, %reduce_sum3A [1] : vector<5000x128xf32> to vector<5000xf32>
    %broadcast_in_dim3A = vector.shape_cast %reduce_sum3A_2 : vector<5000xf32> to vector<5000x1xf32>
    %div3A = arith.constant 1.280000e+02 : f32
    %div3A_3 = vector.broadcast %div3A : f32 to vector<5000x1xf32>
    %div3A_4 = arith.divf %broadcast_in_dim3A, %div3A_3 : vector<5000x1xf32>
    %sub3A = vector.broadcast %div3A_4 : vector<5000x1xf32> to vector<5000x128xf32>
    %sub3A_5 = arith.subf %get3A_1, %sub3A : vector<5000x128xf32>
    %square3A = arith.mulf %sub3A_5, %sub3A_5 : vector<5000x128xf32>
    %reduce_sum3A_6 = arith.constant dense<0.000000e+00> : vector<5000xf32>
    %reduce_sum3A_7 = vector.multi_reduction <add>, %square3A, %reduce_sum3A_6 [1] : vector<5000x128xf32> to vector<5000xf32>
    %broadcast_in_dim3A_8 = vector.shape_cast %reduce_sum3A_7 : vector<5000xf32> to vector<5000x1xf32>
    %div3A_9 = arith.constant 1.280000e+02 : f32
    %div3A_10 = vector.broadcast %div3A_9 : f32 to vector<5000x1xf32>
    %div3A_11 = arith.divf %broadcast_in_dim3A_8, %div3A_10 : vector<5000x1xf32>
    %sub3A_12 = vector.broadcast %div3A_4 : vector<5000x1xf32> to vector<5000x128xf32>
    %sub3A_13 = arith.subf %get3A_1, %sub3A_12 : vector<5000x128xf32>
    %add3A = arith.constant 9.99999974E-6 : f32
    %add3A_14 = vector.broadcast %add3A : f32 to vector<5000x1xf32>
    %add3A_15 = arith.addf %div3A_11, %add3A_14 : vector<5000x1xf32>
    %sqrt3A = math.sqrt %add3A_15 : vector<5000x1xf32>
    %div3A_16 = vector.broadcast %sqrt3A : vector<5000x1xf32> to vector<5000x128xf32>
    %div3A_17 = arith.divf %sub3A_13, %div3A_16 : vector<5000x128xf32>
    %get3A_18 = arith.constant 0 : index
    %get3A_19 = arith.constant 0 : index
    %get3A_20 = vector.load %arg2[%get3A_18, %get3A_19] : memref<1x128xf32, #tpu.memory_space<vmem>>, vector<1x128xf32>
    %mul3A = vector.broadcast %get3A_20 : vector<1x128xf32> to vector<5000x128xf32>
    %mul3A_21 = arith.mulf %div3A_17, %mul3A : vector<5000x128xf32>
    %get3A_22 = arith.constant 0 : index
    %get3A_23 = arith.constant 0 : index
    %get3A_24 = vector.load %arg3[%get3A_22, %get3A_23] : memref<1x128xf32, #tpu.memory_space<vmem>>, vector<1x128xf32>
    %add3A_25 = vector.broadcast %get3A_24 : vector<1x128xf32> to vector<5000x128xf32>
    %add3A_26 = arith.addf %mul3A_21, %add3A_25 : vector<5000x128xf32>
    %get3A_27 = arith.constant 0 : index
    %get3A_28 = arith.constant 0 : index
    %get3A_29 = vector.load %arg4[%get3A_27, %get3A_28] : memref<128x384xf32, #tpu.memory_space<vmem>>, vector<128x384xf32>
    %dot_general3A = arith.constant dense<0.000000e+00> : vector<5000x384xf32>
    %dot_general3A_30 = tpu.matmul %add3A_26, %get3A_29, %dot_general3A {dimension_numbers = #tpu.dot_dimension_numbers<[1], [0], [0], [1], [0, 0, 1, 1], [], []>, transpose_lhs_hint = false} : vector<5000x128xf32>, vector<128x384xf32>, vector<5000x384xf32> -> vector<5000x384xf32>
    %slice3A = vector.extract_strided_slice %dot_general3A_30 {offsets = [0, 0], sizes = [5000, 128], strides = [1, 1]} : vector<5000x384xf32> to vector<5000x128xf32>
    %swap3A = arith.constant 0 : index
    %swap3A_31 = arith.constant 0 : index
    %swap3A_32 = vector.load %arg5[%swap3A, %swap3A_31] : memref<5000x128xf32, #tpu.memory_space<vmem>>, vector<5000x128xf32>
    tpu.vector_store %arg5[%swap3A, %swap3A_31], %slice3A {strides = array<i32>} : memref<5000x128xf32, #tpu.memory_space<vmem>>, vector<5000x128xf32>,
    %slice3A_33 = vector.extract_strided_slice %dot_general3A_30 {offsets = [0, 128], sizes = [5000, 128], strides = [1, 1]} : vector<5000x384xf32> to vector<5000x128xf32>
    %convert_element_type3A = arith.truncf %slice3A_33 : vector<5000x128xf32> to vector<5000x128xbf16>
    %convert_element_type3A_34 = arith.extf %convert_element_type3A : vector<5000x128xbf16> to vector<5000x128xf32>
    %bitcast_convert_type3A = tpu.bitcast %convert_element_type3A_34 : vector<5000x128xf32> -> vector<5000x128xi32>
    %slice3A_35 = vector.extract_strided_slice %dot_general3A_30 {offsets = [0, 256], sizes = [5000, 128], strides = [1, 1]} : vector<5000x384xf32> to vector<5000x128xf32>
    %convert_element_type3A_36 = arith.truncf %slice3A_35 : vector<5000x128xf32> to vector<5000x128xbf16>
    %convert_element_type3A_37 = arith.extf %convert_element_type3A_36 : vector<5000x128xbf16> to vector<5000x128xf32>
    %bitcast_convert_type3A_38 = tpu.bitcast %convert_element_type3A_37 : vector<5000x128xf32> -> vector<5000x128xi32>
    %shift_right_logical3A = arith.constant 16 : i32
    %shift_right_logical3A_39 = vector.broadcast %shift_right_logical3A : i32 to vector<5000x128xi32>
    %shift_right_logical3A_40 = arith.shrui %bitcast_convert_type3A, %shift_right_logical3A_39 : vector<5000x128xi32>
    %and3A = arith.constant -65536 : i32
    %and3A_41 = vector.broadcast %and3A : i32 to vector<5000x128xi32>
    %and3A_42 = arith.andi %bitcast_convert_type3A_38, %and3A_41 : vector<5000x128xi32>
    %or3A = arith.ori %shift_right_logical3A_40, %and3A_42 : vector<5000x128xi32>
    %swap3A_43 = arith.constant 0 : index
    %swap3A_44 = arith.constant 0 : index
    %swap3A_45 = vector.load %arg6[%swap3A_43, %swap3A_44] : memref<5000x128xi32, #tpu.memory_space<vmem>>, vector<5000x128xi32>
    tpu.vector_store %arg6[%swap3A_43, %swap3A_44], %or3A {strides = array<i32>} : memref<5000x128xi32, #tpu.memory_space<vmem>>, vector<5000x128xi32>,
    return
  }
  func.func @transform_0(%arg0: i32) -> (i32, i32) {
    %c0_i32 = arith.constant 0 : i32
    %c0_i32_0 = arith.constant 0 : i32
    return %arg0, %c0_i32 : i32, i32
  }
  func.func @transform_1(%arg0: i32) -> (i32, i32) {
    %c0_i32 = arith.constant 0 : i32
    %c0_i32_0 = arith.constant 0 : i32
    %c0_i32_1 = arith.constant 0 : i32
    return %c0_i32, %c0_i32_0 : i32, i32
  }
  func.func @transform_2(%arg0: i32) -> (i32, i32) {
    %c0_i32 = arith.constant 0 : i32
    %c0_i32_0 = arith.constant 0 : i32
    %c0_i32_1 = arith.constant 0 : i32
    return %c0_i32, %c0_i32_0 : i32, i32
  }
  func.func @transform_3(%arg0: i32) -> (i32, i32) {
    %c0_i32 = arith.constant 0 : i32
    %c0_i32_0 = arith.constant 0 : i32
    %c0_i32_1 = arith.constant 0 : i32
    return %c0_i32, %c0_i32_0 : i32, i32
  }
  func.func @transform_4(%arg0: i32) -> (i32, i32) {
    %c0_i32 = arith.constant 0 : i32
    %c0_i32_0 = arith.constant 0 : i32
    return %arg0, %c0_i32 : i32, i32
  }
  func.func @transform_5(%arg0: i32) -> (i32, i32) {
    %c0_i32 = arith.constant 0 : i32
    %c0_i32_0 = arith.constant 0 : i32
    return %arg0, %c0_i32 : i32, i32
  }
}

module attributes {stable_mosaic.version = 14 : i64} {
  func.func @_p3_body(%arg0: i32, %arg1: i32, %arg2: memref<5000x128xf32, #tpu.memory_space<vmem>>, %arg3: memref<5000x128xf32, #tpu.memory_space<vmem>>, %arg4: memref<1x5000x128xi32, #tpu.memory_space<vmem>>, %arg5: memref<1x5000x128xi32, #tpu.memory_space<vmem>>, %arg6: memref<5000x128xf32, #tpu.memory_space<vmem>>, %arg7: memref<128x256xbf16, #tpu.memory_space<vmem>>, %arg8: memref<1x256xf32, #tpu.memory_space<vmem>>, %arg9: memref<256x256xbf16, #tpu.memory_space<vmem>>, %arg10: memref<1x256xf32, #tpu.memory_space<vmem>>, %arg11: memref<128x8xbf16, #tpu.memory_space<vmem>>, %arg12: memref<8x128xbf16, #tpu.memory_space<vmem>>, %arg13: memref<5000x8xf32, #tpu.memory_space<vmem>>, %arg14: memref<5000x128xf32, #tpu.memory_space<vmem>>) attributes {dimension_semantics = [#tpu.dimension_semantics<arbitrary>, #tpu.dimension_semantics<arbitrary>], iteration_bounds = array<i64: 1, 16>, scalar_prefetch = 0 : i64, scratch_operands = 0 : i64, tpu.core_type = #tpu.core_type<tc>, window_params = [{transform_indices = @transform_0, window_bounds = array<i64: 5000, 128>}, {transform_indices = @transform_1, window_bounds = array<i64: 5000, 128>}, {transform_indices = @transform_2, window_bounds = array<i64: 1, 5000, 128>}, {transform_indices = @transform_3, window_bounds = array<i64: 1, 5000, 128>}, {transform_indices = @transform_4, window_bounds = array<i64: 5000, 128>}, {pipeline_mode = #tpu.pipeline_mode<synchronous>, transform_indices = @transform_5, window_bounds = array<i64: 128, 256>}, {pipeline_mode = #tpu.pipeline_mode<synchronous>, transform_indices = @transform_6, window_bounds = array<i64: 1, 256>}, {pipeline_mode = #tpu.pipeline_mode<synchronous>, transform_indices = @transform_7, window_bounds = array<i64: 256, 256>}, {pipeline_mode = #tpu.pipeline_mode<synchronous>, transform_indices = @transform_8, window_bounds = array<i64: 1, 256>}, {pipeline_mode = #tpu.pipeline_mode<synchronous>, transform_indices = @transform_9, window_bounds = array<i64: 128, 8>}, {pipeline_mode = #tpu.pipeline_mode<synchronous>, transform_indices = @transform_10, window_bounds = array<i64: 8, 128>}, {transform_indices = @transform_11, window_bounds = array<i64: 5000, 8>}, {transform_indices = @transform_12, window_bounds = array<i64: 5000, 128>}]} {
    %get3A = arith.constant 0 : index
    %get3A_0 = arith.constant 0 : index
    %get3A_1 = vector.load %arg6[%get3A, %get3A_0] : memref<5000x128xf32, #tpu.memory_space<vmem>>, vector<5000x128xf32>
    %get3A_2 = arith.constant 0 : index
    %get3A_3 = arith.constant 0 : index
    %get3A_4 = vector.load %arg2[%get3A_2, %get3A_3] : memref<5000x128xf32, #tpu.memory_space<vmem>>, vector<5000x128xf32>
    %convert_element_type3A = arith.truncf %get3A_4 : vector<5000x128xf32> to vector<5000x128xbf16>
    %get3A_5 = arith.constant 0 : index
    %get3A_6 = arith.constant 0 : index
    %get3A_7 = arith.constant 0 : index
    %get3A_8 = vector.load %arg4[%get3A_5, %get3A_6, %get3A_7] : memref<1x5000x128xi32, #tpu.memory_space<vmem>>, vector<1x5000x128xi32>
    %reshape3A = vector.shape_cast %get3A_8 : vector<1x5000x128xi32> to vector<5000x128xi32>
    %shift_left3A = arith.constant 16 : i32
    %shift_left3A_9 = vector.broadcast %shift_left3A : i32 to vector<5000x128xi32>
    %shift_left3A_10 = arith.shli %reshape3A, %shift_left3A_9 : vector<5000x128xi32>
    %bitcast_convert_type3A = tpu.bitcast %shift_left3A_10 : vector<5000x128xi32> -> vector<5000x128xf32>
    %and3A = arith.constant -65536 : i32
    %and3A_11 = vector.broadcast %and3A : i32 to vector<5000x128xi32>
    %and3A_12 = arith.andi %reshape3A, %and3A_11 : vector<5000x128xi32>
    %bitcast_convert_type3A_13 = tpu.bitcast %and3A_12 : vector<5000x128xi32> -> vector<5000x128xf32>
    %get3A_14 = arith.constant 0 : index
    %get3A_15 = arith.constant 0 : index
    %get3A_16 = vector.load %arg7[%get3A_14, %get3A_15] : memref<128x256xbf16, #tpu.memory_space<vmem>>, vector<128x256xbf16>
    %dot_general3A = arith.constant dense<0.000000e+00> : vector<5000x256xf32>
    %dot_general3A_17 = tpu.matmul %convert_element_type3A, %get3A_16, %dot_general3A {dimension_numbers = #tpu.dot_dimension_numbers<[1], [0], [0], [1], [0, 0, 1, 1], [], []>, transpose_lhs_hint = false} : vector<5000x128xbf16>, vector<128x256xbf16>, vector<5000x256xf32> -> vector<5000x256xf32>
    %get3A_18 = arith.constant 0 : index
    %get3A_19 = arith.constant 0 : index
    %get3A_20 = vector.load %arg8[%get3A_18, %get3A_19] : memref<1x256xf32, #tpu.memory_space<vmem>>, vector<1x256xf32>
    %add3A = vector.broadcast %get3A_20 : vector<1x256xf32> to vector<5000x256xf32>
    %add3A_21 = arith.addf %dot_general3A_17, %add3A : vector<5000x256xf32>
    %max3A = arith.constant 0.000000e+00 : f32
    %max3A_22 = vector.broadcast %max3A : f32 to vector<5000x256xf32>
    %max3A_23 = arith.maximumf %add3A_21, %max3A_22 : vector<5000x256xf32>
    %convert_element_type3A_24 = arith.truncf %max3A_23 : vector<5000x256xf32> to vector<5000x256xbf16>
    %get3A_25 = arith.constant 0 : index
    %get3A_26 = arith.constant 0 : index
    %get3A_27 = vector.load %arg9[%get3A_25, %get3A_26] : memref<256x256xbf16, #tpu.memory_space<vmem>>, vector<256x256xbf16>
    %dot_general3A_28 = arith.constant dense<0.000000e+00> : vector<5000x256xf32>
    %dot_general3A_29 = tpu.matmul %convert_element_type3A_24, %get3A_27, %dot_general3A_28 {dimension_numbers = #tpu.dot_dimension_numbers<[1], [0], [0], [1], [0, 0, 1, 1], [], []>, transpose_lhs_hint = false} : vector<5000x256xbf16>, vector<256x256xbf16>, vector<5000x256xf32> -> vector<5000x256xf32>
    %get3A_30 = arith.constant 0 : index
    %get3A_31 = arith.constant 0 : index
    %get3A_32 = vector.load %arg10[%get3A_30, %get3A_31] : memref<1x256xf32, #tpu.memory_space<vmem>>, vector<1x256xf32>
    %add3A_33 = vector.broadcast %get3A_32 : vector<1x256xf32> to vector<5000x256xf32>
    %add3A_34 = arith.addf %dot_general3A_29, %add3A_33 : vector<5000x256xf32>
    %slice3A = vector.extract_strided_slice %add3A_34 {offsets = [0, 0], sizes = [5000, 128], strides = [1, 1]} : vector<5000x256xf32> to vector<5000x128xf32>
    %add3A_35 = arith.addf %bitcast_convert_type3A, %slice3A : vector<5000x128xf32>
    %slice3A_36 = vector.extract_strided_slice %add3A_34 {offsets = [0, 128], sizes = [5000, 128], strides = [1, 1]} : vector<5000x256xf32> to vector<5000x128xf32>
    %add3A_37 = arith.addf %bitcast_convert_type3A_13, %slice3A_36 : vector<5000x128xf32>
    %mul3A = arith.mulf %get3A_1, %add3A_35 : vector<5000x128xf32>
    %convert_element_type3A_38 = arith.truncf %mul3A : vector<5000x128xf32> to vector<5000x128xbf16>
    %get3A_39 = arith.constant 0 : index
    %get3A_40 = arith.constant 0 : index
    %get3A_41 = vector.load %arg11[%get3A_39, %get3A_40] : memref<128x8xbf16, #tpu.memory_space<vmem>>, vector<128x8xbf16>
    %dot_general3A_42 = arith.constant dense<0.000000e+00> : vector<5000x8xf32>
    %dot_general3A_43 = tpu.matmul %convert_element_type3A_38, %get3A_41, %dot_general3A_42 {dimension_numbers = #tpu.dot_dimension_numbers<[1], [0], [0], [1], [0, 0, 1, 1], [], []>, transpose_lhs_hint = false} : vector<5000x128xbf16>, vector<128x8xbf16>, vector<5000x8xf32> -> vector<5000x8xf32>
    %mul3A_44 = arith.constant 2.500000e-01 : f32
    %mul3A_45 = vector.broadcast %mul3A_44 : f32 to vector<5000x8xf32>
    %mul3A_46 = arith.mulf %dot_general3A_43, %mul3A_45 : vector<5000x8xf32>
    %exp3A = math.exp %mul3A_46 : vector<5000x8xf32>
    %convert_element_type3A_47 = arith.truncf %exp3A : vector<5000x8xf32> to vector<5000x8xbf16>
    %get3A_48 = arith.constant 0 : index
    %get3A_49 = arith.constant 0 : index
    %get3A_50 = vector.load %arg12[%get3A_48, %get3A_49] : memref<8x128xbf16, #tpu.memory_space<vmem>>, vector<8x128xbf16>
    %dot_general3A_51 = arith.constant dense<0.000000e+00> : vector<5000x128xf32>
    %dot_general3A_52 = tpu.matmul %convert_element_type3A_47, %get3A_50, %dot_general3A_51 {dimension_numbers = #tpu.dot_dimension_numbers<[1], [0], [0], [1], [0, 0, 1, 1], [], []>, transpose_lhs_hint = false} : vector<5000x8xbf16>, vector<8x128xbf16>, vector<5000x128xf32> -> vector<5000x128xf32>
    %mul3A_53 = arith.mulf %dot_general3A_52, %add3A_37 : vector<5000x128xf32>
    %get3A_54 = arith.constant 0 : index
    %get3A_55 = arith.constant 0 : index
    %get3A_56 = vector.load %arg3[%get3A_54, %get3A_55] : memref<5000x128xf32, #tpu.memory_space<vmem>>, vector<5000x128xf32>
    %convert_element_type3A_57 = arith.truncf %get3A_56 : vector<5000x128xf32> to vector<5000x128xbf16>
    %get3A_58 = arith.constant 0 : index
    %get3A_59 = arith.constant 0 : index
    %get3A_60 = arith.constant 0 : index
    %get3A_61 = vector.load %arg5[%get3A_58, %get3A_59, %get3A_60] : memref<1x5000x128xi32, #tpu.memory_space<vmem>>, vector<1x5000x128xi32>
    %reshape3A_62 = vector.shape_cast %get3A_61 : vector<1x5000x128xi32> to vector<5000x128xi32>
    %shift_left3A_63 = arith.constant 16 : i32
    %shift_left3A_64 = vector.broadcast %shift_left3A_63 : i32 to vector<5000x128xi32>
    %shift_left3A_65 = arith.shli %reshape3A_62, %shift_left3A_64 : vector<5000x128xi32>
    %bitcast_convert_type3A_66 = tpu.bitcast %shift_left3A_65 : vector<5000x128xi32> -> vector<5000x128xf32>
    %and3A_67 = arith.constant -65536 : i32
    %and3A_68 = vector.broadcast %and3A_67 : i32 to vector<5000x128xi32>
    %and3A_69 = arith.andi %reshape3A_62, %and3A_68 : vector<5000x128xi32>
    %bitcast_convert_type3A_70 = tpu.bitcast %and3A_69 : vector<5000x128xi32> -> vector<5000x128xf32>
    %get3A_71 = arith.constant 0 : index
    %get3A_72 = arith.constant 0 : index
    %get3A_73 = vector.load %arg7[%get3A_71, %get3A_72] : memref<128x256xbf16, #tpu.memory_space<vmem>>, vector<128x256xbf16>
    %dot_general3A_74 = arith.constant dense<0.000000e+00> : vector<5000x256xf32>
    %dot_general3A_75 = tpu.matmul %convert_element_type3A_57, %get3A_73, %dot_general3A_74 {dimension_numbers = #tpu.dot_dimension_numbers<[1], [0], [0], [1], [0, 0, 1, 1], [], []>, transpose_lhs_hint = false} : vector<5000x128xbf16>, vector<128x256xbf16>, vector<5000x256xf32> -> vector<5000x256xf32>
    %get3A_76 = arith.constant 0 : index
    %get3A_77 = arith.constant 0 : index
    %get3A_78 = vector.load %arg8[%get3A_76, %get3A_77] : memref<1x256xf32, #tpu.memory_space<vmem>>, vector<1x256xf32>
    %add3A_79 = vector.broadcast %get3A_78 : vector<1x256xf32> to vector<5000x256xf32>
    %add3A_80 = arith.addf %dot_general3A_75, %add3A_79 : vector<5000x256xf32>
    %max3A_81 = arith.constant 0.000000e+00 : f32
    %max3A_82 = vector.broadcast %max3A_81 : f32 to vector<5000x256xf32>
    %max3A_83 = arith.maximumf %add3A_80, %max3A_82 : vector<5000x256xf32>
    %convert_element_type3A_84 = arith.truncf %max3A_83 : vector<5000x256xf32> to vector<5000x256xbf16>
    %get3A_85 = arith.constant 0 : index
    %get3A_86 = arith.constant 0 : index
    %get3A_87 = vector.load %arg9[%get3A_85, %get3A_86] : memref<256x256xbf16, #tpu.memory_space<vmem>>, vector<256x256xbf16>
    %dot_general3A_88 = arith.constant dense<0.000000e+00> : vector<5000x256xf32>
    %dot_general3A_89 = tpu.matmul %convert_element_type3A_84, %get3A_87, %dot_general3A_88 {dimension_numbers = #tpu.dot_dimension_numbers<[1], [0], [0], [1], [0, 0, 1, 1], [], []>, transpose_lhs_hint = false} : vector<5000x256xbf16>, vector<256x256xbf16>, vector<5000x256xf32> -> vector<5000x256xf32>
    %get3A_90 = arith.constant 0 : index
    %get3A_91 = arith.constant 0 : index
    %get3A_92 = vector.load %arg10[%get3A_90, %get3A_91] : memref<1x256xf32, #tpu.memory_space<vmem>>, vector<1x256xf32>
    %add3A_93 = vector.broadcast %get3A_92 : vector<1x256xf32> to vector<5000x256xf32>
    %add3A_94 = arith.addf %dot_general3A_89, %add3A_93 : vector<5000x256xf32>
    %slice3A_95 = vector.extract_strided_slice %add3A_94 {offsets = [0, 0], sizes = [5000, 128], strides = [1, 1]} : vector<5000x256xf32> to vector<5000x128xf32>
    %add3A_96 = arith.addf %bitcast_convert_type3A_66, %slice3A_95 : vector<5000x128xf32>
    %slice3A_97 = vector.extract_strided_slice %add3A_94 {offsets = [0, 128], sizes = [5000, 128], strides = [1, 1]} : vector<5000x256xf32> to vector<5000x128xf32>
    %add3A_98 = arith.addf %bitcast_convert_type3A_70, %slice3A_97 : vector<5000x128xf32>
    %mul3A_99 = arith.mulf %get3A_1, %add3A_96 : vector<5000x128xf32>
    %convert_element_type3A_100 = arith.truncf %mul3A_99 : vector<5000x128xf32> to vector<5000x128xbf16>
    %get3A_101 = arith.constant 0 : index
    %get3A_102 = arith.constant 0 : index
    %get3A_103 = vector.load %arg11[%get3A_101, %get3A_102] : memref<128x8xbf16, #tpu.memory_space<vmem>>, vector<128x8xbf16>
    %dot_general3A_104 = arith.constant dense<0.000000e+00> : vector<5000x8xf32>
    %dot_general3A_105 = tpu.matmul %convert_element_type3A_100, %get3A_103, %dot_general3A_104 {dimension_numbers = #tpu.dot_dimension_numbers<[1], [0], [0], [1], [0, 0, 1, 1], [], []>, transpose_lhs_hint = false} : vector<5000x128xbf16>, vector<128x8xbf16>, vector<5000x8xf32> -> vector<5000x8xf32>
    %mul3A_106 = arith.constant 2.500000e-01 : f32
    %mul3A_107 = vector.broadcast %mul3A_106 : f32 to vector<5000x8xf32>
    %mul3A_108 = arith.mulf %dot_general3A_105, %mul3A_107 : vector<5000x8xf32>
    %exp3A_109 = math.exp %mul3A_108 : vector<5000x8xf32>
    %convert_element_type3A_110 = arith.truncf %exp3A_109 : vector<5000x8xf32> to vector<5000x8xbf16>
    %get3A_111 = arith.constant 0 : index
    %get3A_112 = arith.constant 0 : index
    %get3A_113 = vector.load %arg12[%get3A_111, %get3A_112] : memref<8x128xbf16, #tpu.memory_space<vmem>>, vector<8x128xbf16>
    %dot_general3A_114 = arith.constant dense<0.000000e+00> : vector<5000x128xf32>
    %dot_general3A_115 = tpu.matmul %convert_element_type3A_110, %get3A_113, %dot_general3A_114 {dimension_numbers = #tpu.dot_dimension_numbers<[1], [0], [0], [1], [0, 0, 1, 1], [], []>, transpose_lhs_hint = false} : vector<5000x8xbf16>, vector<8x128xbf16>, vector<5000x128xf32> -> vector<5000x128xf32>
    %mul3A_116 = arith.mulf %dot_general3A_115, %add3A_98 : vector<5000x128xf32>
    %eq3A = arith.constant 0 : i32
    %eq3A_117 = arith.cmpi eq, %arg1, %eq3A : i32
    %convert_element_type3A_118 = arith.extui %eq3A_117 : i1 to i32
    %cond3A = arith.constant 0 : i32
    %cond3A_119 = arith.cmpi ne, %convert_element_type3A_118, %cond3A : i32
    scf.if %cond3A_119 {
      %add3A_124 = arith.addf %exp3A, %exp3A_109 : vector<5000x8xf32>
      %swap3A = arith.constant 0 : index
      %swap3A_125 = arith.constant 0 : index
      %swap3A_126 = vector.load %arg13[%swap3A, %swap3A_125] : memref<5000x8xf32, #tpu.memory_space<vmem>>, vector<5000x8xf32>
      tpu.vector_store %arg13[%swap3A, %swap3A_125], %add3A_124 {strides = array<i32>} : memref<5000x8xf32, #tpu.memory_space<vmem>>, vector<5000x8xf32>,
      %add3A_127 = arith.addf %mul3A_53, %mul3A_116 : vector<5000x128xf32>
      %swap3A_128 = arith.constant 0 : index
      %swap3A_129 = arith.constant 0 : index
      %swap3A_130 = vector.load %arg14[%swap3A_128, %swap3A_129] : memref<5000x128xf32, #tpu.memory_space<vmem>>, vector<5000x128xf32>
      tpu.vector_store %arg14[%swap3A_128, %swap3A_129], %add3A_127 {strides = array<i32>} : memref<5000x128xf32, #tpu.memory_space<vmem>>, vector<5000x128xf32>,
    } else {
    }
    %gt3A = arith.constant 0 : i32
    %gt3A_120 = arith.cmpi sgt, %arg1, %gt3A : i32
    %convert_element_type3A_121 = arith.extui %gt3A_120 : i1 to i32
    %cond3A_122 = arith.constant 0 : i32
    %cond3A_123 = arith.cmpi ne, %convert_element_type3A_121, %cond3A_122 : i32
    scf.if %cond3A_123 {
      %get3A_124 = arith.constant 0 : index
      %get3A_125 = arith.constant 0 : index
      %get3A_126 = vector.load %arg13[%get3A_124, %get3A_125] : memref<5000x8xf32, #tpu.memory_space<vmem>>, vector<5000x8xf32>
      %add3A_127 = arith.addf %exp3A, %exp3A_109 : vector<5000x8xf32>
      %add3A_128 = arith.addf %get3A_126, %add3A_127 : vector<5000x8xf32>
      %swap3A = arith.constant 0 : index
      %swap3A_129 = arith.constant 0 : index
      %swap3A_130 = vector.load %arg13[%swap3A, %swap3A_129] : memref<5000x8xf32, #tpu.memory_space<vmem>>, vector<5000x8xf32>
      tpu.vector_store %arg13[%swap3A, %swap3A_129], %add3A_128 {strides = array<i32>} : memref<5000x8xf32, #tpu.memory_space<vmem>>, vector<5000x8xf32>,
      %get3A_131 = arith.constant 0 : index
      %get3A_132 = arith.constant 0 : index
      %get3A_133 = vector.load %arg14[%get3A_131, %get3A_132] : memref<5000x128xf32, #tpu.memory_space<vmem>>, vector<5000x128xf32>
      %add3A_134 = arith.addf %mul3A_53, %mul3A_116 : vector<5000x128xf32>
      %add3A_135 = arith.addf %get3A_133, %add3A_134 : vector<5000x128xf32>
      %swap3A_136 = arith.constant 0 : index
      %swap3A_137 = arith.constant 0 : index
      %swap3A_138 = vector.load %arg14[%swap3A_136, %swap3A_137] : memref<5000x128xf32, #tpu.memory_space<vmem>>, vector<5000x128xf32>
      tpu.vector_store %arg14[%swap3A_136, %swap3A_137], %add3A_135 {strides = array<i32>} : memref<5000x128xf32, #tpu.memory_space<vmem>>, vector<5000x128xf32>,
    } else {
    }
    return
  }
  func.func @transform_0(%arg0: i32, %arg1: i32) -> (i32, i32) {
    %add3A = arith.constant 1 : i32
    %add3A_0 = arith.addi %arg0, %add3A : i32
    %mul3A = arith.constant 2 : i32
    %mul3A_1 = arith.muli %mul3A, %arg1 : i32
    %c0_i32 = arith.constant 0 : i32
    return %add3A_0, %mul3A_1 : i32, i32
  }
  func.func @transform_1(%arg0: i32, %arg1: i32) -> (i32, i32) {
    %add3A = arith.constant 1 : i32
    %add3A_0 = arith.addi %arg0, %add3A : i32
    %mul3A = arith.constant 2 : i32
    %mul3A_1 = arith.muli %mul3A, %arg1 : i32
    %add3A_2 = arith.constant 1 : i32
    %add3A_3 = arith.addi %mul3A_1, %add3A_2 : i32
    %c0_i32 = arith.constant 0 : i32
    return %add3A_0, %add3A_3 : i32, i32
  }
  func.func @transform_2(%arg0: i32, %arg1: i32) -> (i32, i32, i32) {
    %mul3A = arith.constant 2 : i32
    %mul3A_0 = arith.muli %mul3A, %arg1 : i32
    %c0_i32 = arith.constant 0 : i32
    %c0_i32_1 = arith.constant 0 : i32
    return %mul3A_0, %arg0, %c0_i32 : i32, i32, i32
  }
  func.func @transform_3(%arg0: i32, %arg1: i32) -> (i32, i32, i32) {
    %mul3A = arith.constant 2 : i32
    %mul3A_0 = arith.muli %mul3A, %arg1 : i32
    %add3A = arith.constant 1 : i32
    %add3A_1 = arith.addi %mul3A_0, %add3A : i32
    %c0_i32 = arith.constant 0 : i32
    %c0_i32_2 = arith.constant 0 : i32
    return %add3A_1, %arg0, %c0_i32 : i32, i32, i32
  }
  func.func @transform_4(%arg0: i32, %arg1: i32) -> (i32, i32) {
    %add3A = arith.constant 1 : i32
    %add3A_0 = arith.addi %arg0, %add3A : i32
    %c0_i32 = arith.constant 0 : i32
    %c0_i32_1 = arith.constant 0 : i32
    return %add3A_0, %c0_i32 : i32, i32
  }
  func.func @transform_5(%arg0: i32, %arg1: i32) -> (i32, i32) {
    %c0_i32 = arith.constant 0 : i32
    %c0_i32_0 = arith.constant 0 : i32
    %c0_i32_1 = arith.constant 0 : i32
    return %c0_i32, %c0_i32_0 : i32, i32
  }
  func.func @transform_6(%arg0: i32, %arg1: i32) -> (i32, i32) {
    %c0_i32 = arith.constant 0 : i32
    %c0_i32_0 = arith.constant 0 : i32
    %c0_i32_1 = arith.constant 0 : i32
    return %c0_i32, %c0_i32_0 : i32, i32
  }
  func.func @transform_7(%arg0: i32, %arg1: i32) -> (i32, i32) {
    %c0_i32 = arith.constant 0 : i32
    %c0_i32_0 = arith.constant 0 : i32
    %c0_i32_1 = arith.constant 0 : i32
    return %c0_i32, %c0_i32_0 : i32, i32
  }
  func.func @transform_8(%arg0: i32, %arg1: i32) -> (i32, i32) {
    %c0_i32 = arith.constant 0 : i32
    %c0_i32_0 = arith.constant 0 : i32
    %c0_i32_1 = arith.constant 0 : i32
    return %c0_i32, %c0_i32_0 : i32, i32
  }
  func.func @transform_9(%arg0: i32, %arg1: i32) -> (i32, i32) {
    %c0_i32 = arith.constant 0 : i32
    %c0_i32_0 = arith.constant 0 : i32
    %c0_i32_1 = arith.constant 0 : i32
    return %c0_i32, %c0_i32_0 : i32, i32
  }
  func.func @transform_10(%arg0: i32, %arg1: i32) -> (i32, i32) {
    %c0_i32 = arith.constant 0 : i32
    %c0_i32_0 = arith.constant 0 : i32
    %c0_i32_1 = arith.constant 0 : i32
    return %c0_i32, %c0_i32_0 : i32, i32
  }
  func.func @transform_11(%arg0: i32, %arg1: i32) -> (i32, i32) {
    %c0_i32 = arith.constant 0 : i32
    %c0_i32_0 = arith.constant 0 : i32
    return %arg0, %c0_i32 : i32, i32
  }
  func.func @transform_12(%arg0: i32, %arg1: i32) -> (i32, i32) {
    %c0_i32 = arith.constant 0 : i32
    %c0_i32_0 = arith.constant 0 : i32
    return %arg0, %c0_i32 : i32, i32
  }
}

module attributes {stable_mosaic.version = 14 : i64} {
  func.func @_p3_body(%arg0: i32, %arg1: i32, %arg2: memref<5000x128xf32, #tpu.memory_space<vmem>>, %arg3: memref<5000x128xf32, #tpu.memory_space<vmem>>, %arg4: memref<1x5000x128xi32, #tpu.memory_space<vmem>>, %arg5: memref<1x5000x128xi32, #tpu.memory_space<vmem>>, %arg6: memref<5000x128xf32, #tpu.memory_space<vmem>>, %arg7: memref<128x256xbf16, #tpu.memory_space<vmem>>, %arg8: memref<1x256xf32, #tpu.memory_space<vmem>>, %arg9: memref<256x256xbf16, #tpu.memory_space<vmem>>, %arg10: memref<1x256xf32, #tpu.memory_space<vmem>>, %arg11: memref<128x8xbf16, #tpu.memory_space<vmem>>, %arg12: memref<8x128xbf16, #tpu.memory_space<vmem>>, %arg13: memref<5000x8xf32, #tpu.memory_space<vmem>>, %arg14: memref<5000x128xf32, #tpu.memory_space<vmem>>) attributes {dimension_semantics = [#tpu.dimension_semantics<arbitrary>, #tpu.dimension_semantics<arbitrary>], iteration_bounds = array<i64: 1, 16>, scalar_prefetch = 0 : i64, scratch_operands = 0 : i64, tpu.core_type = #tpu.core_type<tc>, window_params = [{transform_indices = @transform_0, window_bounds = array<i64: 5000, 128>}, {transform_indices = @transform_1, window_bounds = array<i64: 5000, 128>}, {transform_indices = @transform_2, window_bounds = array<i64: 1, 5000, 128>}, {transform_indices = @transform_3, window_bounds = array<i64: 1, 5000, 128>}, {transform_indices = @transform_4, window_bounds = array<i64: 5000, 128>}, {pipeline_mode = #tpu.pipeline_mode<synchronous>, transform_indices = @transform_5, window_bounds = array<i64: 128, 256>}, {pipeline_mode = #tpu.pipeline_mode<synchronous>, transform_indices = @transform_6, window_bounds = array<i64: 1, 256>}, {pipeline_mode = #tpu.pipeline_mode<synchronous>, transform_indices = @transform_7, window_bounds = array<i64: 256, 256>}, {pipeline_mode = #tpu.pipeline_mode<synchronous>, transform_indices = @transform_8, window_bounds = array<i64: 1, 256>}, {pipeline_mode = #tpu.pipeline_mode<synchronous>, transform_indices = @transform_9, window_bounds = array<i64: 128, 8>}, {pipeline_mode = #tpu.pipeline_mode<synchronous>, transform_indices = @transform_10, window_bounds = array<i64: 8, 128>}, {transform_indices = @transform_11, window_bounds = array<i64: 5000, 8>}, {transform_indices = @transform_12, window_bounds = array<i64: 5000, 128>}]} {
    %get3A = arith.constant 0 : index
    %get3A_0 = arith.constant 0 : index
    %get3A_1 = vector.load %arg6[%get3A, %get3A_0] : memref<5000x128xf32, #tpu.memory_space<vmem>>, vector<5000x128xf32>
    %get3A_2 = arith.constant 0 : index
    %get3A_3 = arith.constant 0 : index
    %get3A_4 = vector.load %arg2[%get3A_2, %get3A_3] : memref<5000x128xf32, #tpu.memory_space<vmem>>, vector<5000x128xf32>
    %convert_element_type3A = arith.truncf %get3A_4 : vector<5000x128xf32> to vector<5000x128xbf16>
    %get3A_5 = arith.constant 0 : index
    %get3A_6 = arith.constant 0 : index
    %get3A_7 = arith.constant 0 : index
    %get3A_8 = vector.load %arg4[%get3A_5, %get3A_6, %get3A_7] : memref<1x5000x128xi32, #tpu.memory_space<vmem>>, vector<1x5000x128xi32>
    %reshape3A = vector.shape_cast %get3A_8 : vector<1x5000x128xi32> to vector<5000x128xi32>
    %shift_left3A = arith.constant 16 : i32
    %shift_left3A_9 = vector.broadcast %shift_left3A : i32 to vector<5000x128xi32>
    %shift_left3A_10 = arith.shli %reshape3A, %shift_left3A_9 : vector<5000x128xi32>
    %bitcast_convert_type3A = tpu.bitcast %shift_left3A_10 : vector<5000x128xi32> -> vector<5000x128xf32>
    %and3A = arith.constant -65536 : i32
    %and3A_11 = vector.broadcast %and3A : i32 to vector<5000x128xi32>
    %and3A_12 = arith.andi %reshape3A, %and3A_11 : vector<5000x128xi32>
    %bitcast_convert_type3A_13 = tpu.bitcast %and3A_12 : vector<5000x128xi32> -> vector<5000x128xf32>
    %get3A_14 = arith.constant 0 : index
    %get3A_15 = arith.constant 0 : index
    %get3A_16 = vector.load %arg7[%get3A_14, %get3A_15] : memref<128x256xbf16, #tpu.memory_space<vmem>>, vector<128x256xbf16>
    %dot_general3A = arith.constant dense<0.000000e+00> : vector<5000x256xf32>
    %dot_general3A_17 = tpu.matmul %convert_element_type3A, %get3A_16, %dot_general3A {dimension_numbers = #tpu.dot_dimension_numbers<[1], [0], [0], [1], [0, 0, 1, 1], [], []>, transpose_lhs_hint = false} : vector<5000x128xbf16>, vector<128x256xbf16>, vector<5000x256xf32> -> vector<5000x256xf32>
    %get3A_18 = arith.constant 0 : index
    %get3A_19 = arith.constant 0 : index
    %get3A_20 = vector.load %arg8[%get3A_18, %get3A_19] : memref<1x256xf32, #tpu.memory_space<vmem>>, vector<1x256xf32>
    %add3A = vector.broadcast %get3A_20 : vector<1x256xf32> to vector<5000x256xf32>
    %add3A_21 = arith.addf %dot_general3A_17, %add3A : vector<5000x256xf32>
    %max3A = arith.constant 0.000000e+00 : f32
    %max3A_22 = vector.broadcast %max3A : f32 to vector<5000x256xf32>
    %max3A_23 = arith.maximumf %add3A_21, %max3A_22 : vector<5000x256xf32>
    %convert_element_type3A_24 = arith.truncf %max3A_23 : vector<5000x256xf32> to vector<5000x256xbf16>
    %get3A_25 = arith.constant 0 : index
    %get3A_26 = arith.constant 0 : index
    %get3A_27 = vector.load %arg9[%get3A_25, %get3A_26] : memref<256x256xbf16, #tpu.memory_space<vmem>>, vector<256x256xbf16>
    %dot_general3A_28 = arith.constant dense<0.000000e+00> : vector<5000x256xf32>
    %dot_general3A_29 = tpu.matmul %convert_element_type3A_24, %get3A_27, %dot_general3A_28 {dimension_numbers = #tpu.dot_dimension_numbers<[1], [0], [0], [1], [0, 0, 1, 1], [], []>, transpose_lhs_hint = false} : vector<5000x256xbf16>, vector<256x256xbf16>, vector<5000x256xf32> -> vector<5000x256xf32>
    %get3A_30 = arith.constant 0 : index
    %get3A_31 = arith.constant 0 : index
    %get3A_32 = vector.load %arg10[%get3A_30, %get3A_31] : memref<1x256xf32, #tpu.memory_space<vmem>>, vector<1x256xf32>
    %add3A_33 = vector.broadcast %get3A_32 : vector<1x256xf32> to vector<5000x256xf32>
    %add3A_34 = arith.addf %dot_general3A_29, %add3A_33 : vector<5000x256xf32>
    %slice3A = vector.extract_strided_slice %add3A_34 {offsets = [0, 0], sizes = [5000, 128], strides = [1, 1]} : vector<5000x256xf32> to vector<5000x128xf32>
    %add3A_35 = arith.addf %bitcast_convert_type3A, %slice3A : vector<5000x128xf32>
    %slice3A_36 = vector.extract_strided_slice %add3A_34 {offsets = [0, 128], sizes = [5000, 128], strides = [1, 1]} : vector<5000x256xf32> to vector<5000x128xf32>
    %add3A_37 = arith.addf %bitcast_convert_type3A_13, %slice3A_36 : vector<5000x128xf32>
    %mul3A = arith.mulf %get3A_1, %add3A_35 : vector<5000x128xf32>
    %convert_element_type3A_38 = arith.truncf %mul3A : vector<5000x128xf32> to vector<5000x128xbf16>
    %get3A_39 = arith.constant 0 : index
    %get3A_40 = arith.constant 0 : index
    %get3A_41 = vector.load %arg11[%get3A_39, %get3A_40] : memref<128x8xbf16, #tpu.memory_space<vmem>>, vector<128x8xbf16>
    %dot_general3A_42 = arith.constant dense<0.000000e+00> : vector<5000x8xf32>
    %dot_general3A_43 = tpu.matmul %convert_element_type3A_38, %get3A_41, %dot_general3A_42 {dimension_numbers = #tpu.dot_dimension_numbers<[1], [0], [0], [1], [0, 0, 1, 1], [], []>, transpose_lhs_hint = false} : vector<5000x128xbf16>, vector<128x8xbf16>, vector<5000x8xf32> -> vector<5000x8xf32>
    %mul3A_44 = arith.constant 2.500000e-01 : f32
    %mul3A_45 = vector.broadcast %mul3A_44 : f32 to vector<5000x8xf32>
    %mul3A_46 = arith.mulf %dot_general3A_43, %mul3A_45 : vector<5000x8xf32>
    %exp3A = math.exp %mul3A_46 : vector<5000x8xf32>
    %convert_element_type3A_47 = arith.truncf %exp3A : vector<5000x8xf32> to vector<5000x8xbf16>
    %get3A_48 = arith.constant 0 : index
    %get3A_49 = arith.constant 0 : index
    %get3A_50 = vector.load %arg12[%get3A_48, %get3A_49] : memref<8x128xbf16, #tpu.memory_space<vmem>>, vector<8x128xbf16>
    %dot_general3A_51 = arith.constant dense<0.000000e+00> : vector<5000x128xf32>
    %dot_general3A_52 = tpu.matmul %convert_element_type3A_47, %get3A_50, %dot_general3A_51 {dimension_numbers = #tpu.dot_dimension_numbers<[1], [0], [0], [1], [0, 0, 1, 1], [], []>, transpose_lhs_hint = false} : vector<5000x8xbf16>, vector<8x128xbf16>, vector<5000x128xf32> -> vector<5000x128xf32>
    %mul3A_53 = arith.mulf %dot_general3A_52, %add3A_37 : vector<5000x128xf32>
    %get3A_54 = arith.constant 0 : index
    %get3A_55 = arith.constant 0 : index
    %get3A_56 = vector.load %arg3[%get3A_54, %get3A_55] : memref<5000x128xf32, #tpu.memory_space<vmem>>, vector<5000x128xf32>
    %convert_element_type3A_57 = arith.truncf %get3A_56 : vector<5000x128xf32> to vector<5000x128xbf16>
    %get3A_58 = arith.constant 0 : index
    %get3A_59 = arith.constant 0 : index
    %get3A_60 = arith.constant 0 : index
    %get3A_61 = vector.load %arg5[%get3A_58, %get3A_59, %get3A_60] : memref<1x5000x128xi32, #tpu.memory_space<vmem>>, vector<1x5000x128xi32>
    %reshape3A_62 = vector.shape_cast %get3A_61 : vector<1x5000x128xi32> to vector<5000x128xi32>
    %shift_left3A_63 = arith.constant 16 : i32
    %shift_left3A_64 = vector.broadcast %shift_left3A_63 : i32 to vector<5000x128xi32>
    %shift_left3A_65 = arith.shli %reshape3A_62, %shift_left3A_64 : vector<5000x128xi32>
    %bitcast_convert_type3A_66 = tpu.bitcast %shift_left3A_65 : vector<5000x128xi32> -> vector<5000x128xf32>
    %and3A_67 = arith.constant -65536 : i32
    %and3A_68 = vector.broadcast %and3A_67 : i32 to vector<5000x128xi32>
    %and3A_69 = arith.andi %reshape3A_62, %and3A_68 : vector<5000x128xi32>
    %bitcast_convert_type3A_70 = tpu.bitcast %and3A_69 : vector<5000x128xi32> -> vector<5000x128xf32>
    %get3A_71 = arith.constant 0 : index
    %get3A_72 = arith.constant 0 : index
    %get3A_73 = vector.load %arg7[%get3A_71, %get3A_72] : memref<128x256xbf16, #tpu.memory_space<vmem>>, vector<128x256xbf16>
    %dot_general3A_74 = arith.constant dense<0.000000e+00> : vector<5000x256xf32>
    %dot_general3A_75 = tpu.matmul %convert_element_type3A_57, %get3A_73, %dot_general3A_74 {dimension_numbers = #tpu.dot_dimension_numbers<[1], [0], [0], [1], [0, 0, 1, 1], [], []>, transpose_lhs_hint = false} : vector<5000x128xbf16>, vector<128x256xbf16>, vector<5000x256xf32> -> vector<5000x256xf32>
    %get3A_76 = arith.constant 0 : index
    %get3A_77 = arith.constant 0 : index
    %get3A_78 = vector.load %arg8[%get3A_76, %get3A_77] : memref<1x256xf32, #tpu.memory_space<vmem>>, vector<1x256xf32>
    %add3A_79 = vector.broadcast %get3A_78 : vector<1x256xf32> to vector<5000x256xf32>
    %add3A_80 = arith.addf %dot_general3A_75, %add3A_79 : vector<5000x256xf32>
    %max3A_81 = arith.constant 0.000000e+00 : f32
    %max3A_82 = vector.broadcast %max3A_81 : f32 to vector<5000x256xf32>
    %max3A_83 = arith.maximumf %add3A_80, %max3A_82 : vector<5000x256xf32>
    %convert_element_type3A_84 = arith.truncf %max3A_83 : vector<5000x256xf32> to vector<5000x256xbf16>
    %get3A_85 = arith.constant 0 : index
    %get3A_86 = arith.constant 0 : index
    %get3A_87 = vector.load %arg9[%get3A_85, %get3A_86] : memref<256x256xbf16, #tpu.memory_space<vmem>>, vector<256x256xbf16>
    %dot_general3A_88 = arith.constant dense<0.000000e+00> : vector<5000x256xf32>
    %dot_general3A_89 = tpu.matmul %convert_element_type3A_84, %get3A_87, %dot_general3A_88 {dimension_numbers = #tpu.dot_dimension_numbers<[1], [0], [0], [1], [0, 0, 1, 1], [], []>, transpose_lhs_hint = false} : vector<5000x256xbf16>, vector<256x256xbf16>, vector<5000x256xf32> -> vector<5000x256xf32>
    %get3A_90 = arith.constant 0 : index
    %get3A_91 = arith.constant 0 : index
    %get3A_92 = vector.load %arg10[%get3A_90, %get3A_91] : memref<1x256xf32, #tpu.memory_space<vmem>>, vector<1x256xf32>
    %add3A_93 = vector.broadcast %get3A_92 : vector<1x256xf32> to vector<5000x256xf32>
    %add3A_94 = arith.addf %dot_general3A_89, %add3A_93 : vector<5000x256xf32>
    %slice3A_95 = vector.extract_strided_slice %add3A_94 {offsets = [0, 0], sizes = [5000, 128], strides = [1, 1]} : vector<5000x256xf32> to vector<5000x128xf32>
    %add3A_96 = arith.addf %bitcast_convert_type3A_66, %slice3A_95 : vector<5000x128xf32>
    %slice3A_97 = vector.extract_strided_slice %add3A_94 {offsets = [0, 128], sizes = [5000, 128], strides = [1, 1]} : vector<5000x256xf32> to vector<5000x128xf32>
    %add3A_98 = arith.addf %bitcast_convert_type3A_70, %slice3A_97 : vector<5000x128xf32>
    %mul3A_99 = arith.mulf %get3A_1, %add3A_96 : vector<5000x128xf32>
    %convert_element_type3A_100 = arith.truncf %mul3A_99 : vector<5000x128xf32> to vector<5000x128xbf16>
    %get3A_101 = arith.constant 0 : index
    %get3A_102 = arith.constant 0 : index
    %get3A_103 = vector.load %arg11[%get3A_101, %get3A_102] : memref<128x8xbf16, #tpu.memory_space<vmem>>, vector<128x8xbf16>
    %dot_general3A_104 = arith.constant dense<0.000000e+00> : vector<5000x8xf32>
    %dot_general3A_105 = tpu.matmul %convert_element_type3A_100, %get3A_103, %dot_general3A_104 {dimension_numbers = #tpu.dot_dimension_numbers<[1], [0], [0], [1], [0, 0, 1, 1], [], []>, transpose_lhs_hint = false} : vector<5000x128xbf16>, vector<128x8xbf16>, vector<5000x8xf32> -> vector<5000x8xf32>
    %mul3A_106 = arith.constant 2.500000e-01 : f32
    %mul3A_107 = vector.broadcast %mul3A_106 : f32 to vector<5000x8xf32>
    %mul3A_108 = arith.mulf %dot_general3A_105, %mul3A_107 : vector<5000x8xf32>
    %exp3A_109 = math.exp %mul3A_108 : vector<5000x8xf32>
    %convert_element_type3A_110 = arith.truncf %exp3A_109 : vector<5000x8xf32> to vector<5000x8xbf16>
    %get3A_111 = arith.constant 0 : index
    %get3A_112 = arith.constant 0 : index
    %get3A_113 = vector.load %arg12[%get3A_111, %get3A_112] : memref<8x128xbf16, #tpu.memory_space<vmem>>, vector<8x128xbf16>
    %dot_general3A_114 = arith.constant dense<0.000000e+00> : vector<5000x128xf32>
    %dot_general3A_115 = tpu.matmul %convert_element_type3A_110, %get3A_113, %dot_general3A_114 {dimension_numbers = #tpu.dot_dimension_numbers<[1], [0], [0], [1], [0, 0, 1, 1], [], []>, transpose_lhs_hint = false} : vector<5000x8xbf16>, vector<8x128xbf16>, vector<5000x128xf32> -> vector<5000x128xf32>
    %mul3A_116 = arith.mulf %dot_general3A_115, %add3A_98 : vector<5000x128xf32>
    %eq3A = arith.constant 0 : i32
    %eq3A_117 = arith.cmpi eq, %arg1, %eq3A : i32
    %convert_element_type3A_118 = arith.extui %eq3A_117 : i1 to i32
    %cond3A = arith.constant 0 : i32
    %cond3A_119 = arith.cmpi ne, %convert_element_type3A_118, %cond3A : i32
    scf.if %cond3A_119 {
      %add3A_124 = arith.addf %exp3A, %exp3A_109 : vector<5000x8xf32>
      %swap3A = arith.constant 0 : index
      %swap3A_125 = arith.constant 0 : index
      %swap3A_126 = vector.load %arg13[%swap3A, %swap3A_125] : memref<5000x8xf32, #tpu.memory_space<vmem>>, vector<5000x8xf32>
      tpu.vector_store %arg13[%swap3A, %swap3A_125], %add3A_124 {strides = array<i32>} : memref<5000x8xf32, #tpu.memory_space<vmem>>, vector<5000x8xf32>,
      %add3A_127 = arith.addf %mul3A_53, %mul3A_116 : vector<5000x128xf32>
      %swap3A_128 = arith.constant 0 : index
      %swap3A_129 = arith.constant 0 : index
      %swap3A_130 = vector.load %arg14[%swap3A_128, %swap3A_129] : memref<5000x128xf32, #tpu.memory_space<vmem>>, vector<5000x128xf32>
      tpu.vector_store %arg14[%swap3A_128, %swap3A_129], %add3A_127 {strides = array<i32>} : memref<5000x128xf32, #tpu.memory_space<vmem>>, vector<5000x128xf32>,
    } else {
    }
    %gt3A = arith.constant 0 : i32
    %gt3A_120 = arith.cmpi sgt, %arg1, %gt3A : i32
    %convert_element_type3A_121 = arith.extui %gt3A_120 : i1 to i32
    %cond3A_122 = arith.constant 0 : i32
    %cond3A_123 = arith.cmpi ne, %convert_element_type3A_121, %cond3A_122 : i32
    scf.if %cond3A_123 {
      %get3A_124 = arith.constant 0 : index
      %get3A_125 = arith.constant 0 : index
      %get3A_126 = vector.load %arg13[%get3A_124, %get3A_125] : memref<5000x8xf32, #tpu.memory_space<vmem>>, vector<5000x8xf32>
      %add3A_127 = arith.addf %exp3A, %exp3A_109 : vector<5000x8xf32>
      %add3A_128 = arith.addf %get3A_126, %add3A_127 : vector<5000x8xf32>
      %swap3A = arith.constant 0 : index
      %swap3A_129 = arith.constant 0 : index
      %swap3A_130 = vector.load %arg13[%swap3A, %swap3A_129] : memref<5000x8xf32, #tpu.memory_space<vmem>>, vector<5000x8xf32>
      tpu.vector_store %arg13[%swap3A, %swap3A_129], %add3A_128 {strides = array<i32>} : memref<5000x8xf32, #tpu.memory_space<vmem>>, vector<5000x8xf32>,
      %get3A_131 = arith.constant 0 : index
      %get3A_132 = arith.constant 0 : index
      %get3A_133 = vector.load %arg14[%get3A_131, %get3A_132] : memref<5000x128xf32, #tpu.memory_space<vmem>>, vector<5000x128xf32>
      %add3A_134 = arith.addf %mul3A_53, %mul3A_116 : vector<5000x128xf32>
      %add3A_135 = arith.addf %get3A_133, %add3A_134 : vector<5000x128xf32>
      %swap3A_136 = arith.constant 0 : index
      %swap3A_137 = arith.constant 0 : index
      %swap3A_138 = vector.load %arg14[%swap3A_136, %swap3A_137] : memref<5000x128xf32, #tpu.memory_space<vmem>>, vector<5000x128xf32>
      tpu.vector_store %arg14[%swap3A_136, %swap3A_137], %add3A_135 {strides = array<i32>} : memref<5000x128xf32, #tpu.memory_space<vmem>>, vector<5000x128xf32>,
    } else {
    }
    return
  }
  func.func @transform_0(%arg0: i32, %arg1: i32) -> (i32, i32) {
    %add3A = arith.constant 0 : i32
    %add3A_0 = arith.addi %arg0, %add3A : i32
    %mul3A = arith.constant 2 : i32
    %mul3A_1 = arith.muli %mul3A, %arg1 : i32
    %c0_i32 = arith.constant 0 : i32
    return %add3A_0, %mul3A_1 : i32, i32
  }
  func.func @transform_1(%arg0: i32, %arg1: i32) -> (i32, i32) {
    %add3A = arith.constant 0 : i32
    %add3A_0 = arith.addi %arg0, %add3A : i32
    %mul3A = arith.constant 2 : i32
    %mul3A_1 = arith.muli %mul3A, %arg1 : i32
    %add3A_2 = arith.constant 1 : i32
    %add3A_3 = arith.addi %mul3A_1, %add3A_2 : i32
    %c0_i32 = arith.constant 0 : i32
    return %add3A_0, %add3A_3 : i32, i32
  }
  func.func @transform_2(%arg0: i32, %arg1: i32) -> (i32, i32, i32) {
    %mul3A = arith.constant 2 : i32
    %mul3A_0 = arith.muli %mul3A, %arg1 : i32
    %c0_i32 = arith.constant 0 : i32
    %c0_i32_1 = arith.constant 0 : i32
    return %mul3A_0, %arg0, %c0_i32 : i32, i32, i32
  }
  func.func @transform_3(%arg0: i32, %arg1: i32) -> (i32, i32, i32) {
    %mul3A = arith.constant 2 : i32
    %mul3A_0 = arith.muli %mul3A, %arg1 : i32
    %add3A = arith.constant 1 : i32
    %add3A_1 = arith.addi %mul3A_0, %add3A : i32
    %c0_i32 = arith.constant 0 : i32
    %c0_i32_2 = arith.constant 0 : i32
    return %add3A_1, %arg0, %c0_i32 : i32, i32, i32
  }
  func.func @transform_4(%arg0: i32, %arg1: i32) -> (i32, i32) {
    %add3A = arith.constant 0 : i32
    %add3A_0 = arith.addi %arg0, %add3A : i32
    %c0_i32 = arith.constant 0 : i32
    %c0_i32_1 = arith.constant 0 : i32
    return %add3A_0, %c0_i32 : i32, i32
  }
  func.func @transform_5(%arg0: i32, %arg1: i32) -> (i32, i32) {
    %c0_i32 = arith.constant 0 : i32
    %c0_i32_0 = arith.constant 0 : i32
    %c0_i32_1 = arith.constant 0 : i32
    return %c0_i32, %c0_i32_0 : i32, i32
  }
  func.func @transform_6(%arg0: i32, %arg1: i32) -> (i32, i32) {
    %c0_i32 = arith.constant 0 : i32
    %c0_i32_0 = arith.constant 0 : i32
    %c0_i32_1 = arith.constant 0 : i32
    return %c0_i32, %c0_i32_0 : i32, i32
  }
  func.func @transform_7(%arg0: i32, %arg1: i32) -> (i32, i32) {
    %c0_i32 = arith.constant 0 : i32
    %c0_i32_0 = arith.constant 0 : i32
    %c0_i32_1 = arith.constant 0 : i32
    return %c0_i32, %c0_i32_0 : i32, i32
  }
  func.func @transform_8(%arg0: i32, %arg1: i32) -> (i32, i32) {
    %c0_i32 = arith.constant 0 : i32
    %c0_i32_0 = arith.constant 0 : i32
    %c0_i32_1 = arith.constant 0 : i32
    return %c0_i32, %c0_i32_0 : i32, i32
  }
  func.func @transform_9(%arg0: i32, %arg1: i32) -> (i32, i32) {
    %c0_i32 = arith.constant 0 : i32
    %c0_i32_0 = arith.constant 0 : i32
    %c0_i32_1 = arith.constant 0 : i32
    return %c0_i32, %c0_i32_0 : i32, i32
  }
  func.func @transform_10(%arg0: i32, %arg1: i32) -> (i32, i32) {
    %c0_i32 = arith.constant 0 : i32
    %c0_i32_0 = arith.constant 0 : i32
    %c0_i32_1 = arith.constant 0 : i32
    return %c0_i32, %c0_i32_0 : i32, i32
  }
  func.func @transform_11(%arg0: i32, %arg1: i32) -> (i32, i32) {
    %c0_i32 = arith.constant 0 : i32
    %c0_i32_0 = arith.constant 0 : i32
    return %arg0, %c0_i32 : i32, i32
  }
  func.func @transform_12(%arg0: i32, %arg1: i32) -> (i32, i32) {
    %c0_i32 = arith.constant 0 : i32
    %c0_i32_0 = arith.constant 0 : i32
    return %arg0, %c0_i32 : i32, i32
  }
}

module attributes {stable_mosaic.version = 14 : i64} {
  func.func @_p4_body(%arg0: i32, %arg1: memref<5000x8xf32, #tpu.memory_space<vmem>>, %arg2: memref<5000x128xf32, #tpu.memory_space<vmem>>, %arg3: memref<5000x128xf32, #tpu.memory_space<vmem>>, %arg4: memref<128x128xbf16, #tpu.memory_space<vmem>>, %arg5: memref<1x128xf32, #tpu.memory_space<vmem>>, %arg6: memref<1x128xf32, #tpu.memory_space<vmem>>, %arg7: memref<128x256xbf16, #tpu.memory_space<vmem>>, %arg8: memref<1x256xf32, #tpu.memory_space<vmem>>, %arg9: memref<256x128xbf16, #tpu.memory_space<vmem>>, %arg10: memref<1x128xf32, #tpu.memory_space<vmem>>, %arg11: memref<8x128xbf16, #tpu.memory_space<vmem>>, %arg12: memref<5000x128xf32, #tpu.memory_space<vmem>>) attributes {dimension_semantics = [#tpu.dimension_semantics<arbitrary>], iteration_bounds = array<i64: 1>, scalar_prefetch = 0 : i64, scratch_operands = 0 : i64, tpu.core_type = #tpu.core_type<tc>, window_params = [{transform_indices = @transform_0, window_bounds = array<i64: 5000, 8>}, {transform_indices = @transform_1, window_bounds = array<i64: 5000, 128>}, {transform_indices = @transform_2, window_bounds = array<i64: 5000, 128>}, {pipeline_mode = #tpu.pipeline_mode<synchronous>, transform_indices = @transform_3, window_bounds = array<i64: 128, 128>}, {pipeline_mode = #tpu.pipeline_mode<synchronous>, transform_indices = @transform_4, window_bounds = array<i64: 1, 128>}, {pipeline_mode = #tpu.pipeline_mode<synchronous>, transform_indices = @transform_5, window_bounds = array<i64: 1, 128>}, {pipeline_mode = #tpu.pipeline_mode<synchronous>, transform_indices = @transform_6, window_bounds = array<i64: 128, 256>}, {pipeline_mode = #tpu.pipeline_mode<synchronous>, transform_indices = @transform_7, window_bounds = array<i64: 1, 256>}, {pipeline_mode = #tpu.pipeline_mode<synchronous>, transform_indices = @transform_8, window_bounds = array<i64: 256, 128>}, {pipeline_mode = #tpu.pipeline_mode<synchronous>, transform_indices = @transform_9, window_bounds = array<i64: 1, 128>}, {pipeline_mode = #tpu.pipeline_mode<synchronous>, transform_indices = @transform_10, window_bounds = array<i64: 8, 128>}, {transform_indices = @transform_11, window_bounds = array<i64: 5000, 128>}]} {
    %get3A = arith.constant 0 : index
    %get3A_0 = arith.constant 0 : index
    %get3A_1 = vector.load %arg1[%get3A, %get3A_0] : memref<5000x8xf32, #tpu.memory_space<vmem>>, vector<5000x8xf32>
    %div3A = arith.constant 1.000000e+00 : f32
    %div3A_2 = vector.broadcast %div3A : f32 to vector<5000x8xf32>
    %div3A_3 = arith.divf %div3A_2, %get3A_1 : vector<5000x8xf32>
    %convert_element_type3A = arith.truncf %div3A_3 : vector<5000x8xf32> to vector<5000x8xbf16>
    %get3A_4 = arith.constant 0 : index
    %get3A_5 = arith.constant 0 : index
    %get3A_6 = vector.load %arg11[%get3A_4, %get3A_5] : memref<8x128xbf16, #tpu.memory_space<vmem>>, vector<8x128xbf16>
    %dot_general3A = arith.constant dense<0.000000e+00> : vector<5000x128xf32>
    %dot_general3A_7 = tpu.matmul %convert_element_type3A, %get3A_6, %dot_general3A {dimension_numbers = #tpu.dot_dimension_numbers<[1], [0], [0], [1], [0, 0, 1, 1], [], []>, transpose_lhs_hint = false} : vector<5000x8xbf16>, vector<8x128xbf16>, vector<5000x128xf32> -> vector<5000x128xf32>
    %get3A_8 = arith.constant 0 : index
    %get3A_9 = arith.constant 0 : index
    %get3A_10 = vector.load %arg2[%get3A_8, %get3A_9] : memref<5000x128xf32, #tpu.memory_space<vmem>>, vector<5000x128xf32>
    %mul3A = arith.mulf %get3A_10, %dot_general3A_7 : vector<5000x128xf32>
    %get3A_11 = arith.constant 0 : index
    %get3A_12 = arith.constant 0 : index
    %get3A_13 = vector.load %arg3[%get3A_11, %get3A_12] : memref<5000x128xf32, #tpu.memory_space<vmem>>, vector<5000x128xf32>
    %convert_element_type3A_14 = arith.truncf %mul3A : vector<5000x128xf32> to vector<5000x128xbf16>
    %get3A_15 = arith.constant 0 : index
    %get3A_16 = arith.constant 0 : index
    %get3A_17 = vector.load %arg4[%get3A_15, %get3A_16] : memref<128x128xbf16, #tpu.memory_space<vmem>>, vector<128x128xbf16>
    %dot_general3A_18 = arith.constant dense<0.000000e+00> : vector<5000x128xf32>
    %dot_general3A_19 = tpu.matmul %convert_element_type3A_14, %get3A_17, %dot_general3A_18 {dimension_numbers = #tpu.dot_dimension_numbers<[1], [0], [0], [1], [0, 0, 1, 1], [], []>, transpose_lhs_hint = false} : vector<5000x128xbf16>, vector<128x128xbf16>, vector<5000x128xf32> -> vector<5000x128xf32>
    %add3A = arith.addf %get3A_13, %dot_general3A_19 : vector<5000x128xf32>
    %reduce_sum3A = arith.constant dense<0.000000e+00> : vector<5000xf32>
    %reduce_sum3A_20 = vector.multi_reduction <add>, %add3A, %reduce_sum3A [1] : vector<5000x128xf32> to vector<5000xf32>
    %broadcast_in_dim3A = vector.shape_cast %reduce_sum3A_20 : vector<5000xf32> to vector<5000x1xf32>
    %div3A_21 = arith.constant 1.280000e+02 : f32
    %div3A_22 = vector.broadcast %div3A_21 : f32 to vector<5000x1xf32>
    %div3A_23 = arith.divf %broadcast_in_dim3A, %div3A_22 : vector<5000x1xf32>
    %sub3A = vector.broadcast %div3A_23 : vector<5000x1xf32> to vector<5000x128xf32>
    %sub3A_24 = arith.subf %add3A, %sub3A : vector<5000x128xf32>
    %square3A = arith.mulf %sub3A_24, %sub3A_24 : vector<5000x128xf32>
    %reduce_sum3A_25 = arith.constant dense<0.000000e+00> : vector<5000xf32>
    %reduce_sum3A_26 = vector.multi_reduction <add>, %square3A, %reduce_sum3A_25 [1] : vector<5000x128xf32> to vector<5000xf32>
    %broadcast_in_dim3A_27 = vector.shape_cast %reduce_sum3A_26 : vector<5000xf32> to vector<5000x1xf32>
    %div3A_28 = arith.constant 1.280000e+02 : f32
    %div3A_29 = vector.broadcast %div3A_28 : f32 to vector<5000x1xf32>
    %div3A_30 = arith.divf %broadcast_in_dim3A_27, %div3A_29 : vector<5000x1xf32>
    %sub3A_31 = vector.broadcast %div3A_23 : vector<5000x1xf32> to vector<5000x128xf32>
    %sub3A_32 = arith.subf %add3A, %sub3A_31 : vector<5000x128xf32>
    %add3A_33 = arith.constant 9.99999974E-6 : f32
    %add3A_34 = vector.broadcast %add3A_33 : f32 to vector<5000x1xf32>
    %add3A_35 = arith.addf %div3A_30, %add3A_34 : vector<5000x1xf32>
    %sqrt3A = math.sqrt %add3A_35 : vector<5000x1xf32>
    %div3A_36 = vector.broadcast %sqrt3A : vector<5000x1xf32> to vector<5000x128xf32>
    %div3A_37 = arith.divf %sub3A_32, %div3A_36 : vector<5000x128xf32>
    %get3A_38 = arith.constant 0 : index
    %get3A_39 = arith.constant 0 : index
    %get3A_40 = vector.load %arg5[%get3A_38, %get3A_39] : memref<1x128xf32, #tpu.memory_space<vmem>>, vector<1x128xf32>
    %mul3A_41 = vector.broadcast %get3A_40 : vector<1x128xf32> to vector<5000x128xf32>
    %mul3A_42 = arith.mulf %div3A_37, %mul3A_41 : vector<5000x128xf32>
    %get3A_43 = arith.constant 0 : index
    %get3A_44 = arith.constant 0 : index
    %get3A_45 = vector.load %arg6[%get3A_43, %get3A_44] : memref<1x128xf32, #tpu.memory_space<vmem>>, vector<1x128xf32>
    %add3A_46 = vector.broadcast %get3A_45 : vector<1x128xf32> to vector<5000x128xf32>
    %add3A_47 = arith.addf %mul3A_42, %add3A_46 : vector<5000x128xf32>
    %convert_element_type3A_48 = arith.truncf %add3A_47 : vector<5000x128xf32> to vector<5000x128xbf16>
    %get3A_49 = arith.constant 0 : index
    %get3A_50 = arith.constant 0 : index
    %get3A_51 = vector.load %arg7[%get3A_49, %get3A_50] : memref<128x256xbf16, #tpu.memory_space<vmem>>, vector<128x256xbf16>
    %dot_general3A_52 = arith.constant dense<0.000000e+00> : vector<5000x256xf32>
    %dot_general3A_53 = tpu.matmul %convert_element_type3A_48, %get3A_51, %dot_general3A_52 {dimension_numbers = #tpu.dot_dimension_numbers<[1], [0], [0], [1], [0, 0, 1, 1], [], []>, transpose_lhs_hint = false} : vector<5000x128xbf16>, vector<128x256xbf16>, vector<5000x256xf32> -> vector<5000x256xf32>
    %get3A_54 = arith.constant 0 : index
    %get3A_55 = arith.constant 0 : index
    %get3A_56 = vector.load %arg8[%get3A_54, %get3A_55] : memref<1x256xf32, #tpu.memory_space<vmem>>, vector<1x256xf32>
    %add3A_57 = vector.broadcast %get3A_56 : vector<1x256xf32> to vector<5000x256xf32>
    %add3A_58 = arith.addf %dot_general3A_53, %add3A_57 : vector<5000x256xf32>
    %max3A = arith.constant 0.000000e+00 : f32
    %max3A_59 = vector.broadcast %max3A : f32 to vector<5000x256xf32>
    %max3A_60 = arith.maximumf %add3A_58, %max3A_59 : vector<5000x256xf32>
    %convert_element_type3A_61 = arith.truncf %max3A_60 : vector<5000x256xf32> to vector<5000x256xbf16>
    %get3A_62 = arith.constant 0 : index
    %get3A_63 = arith.constant 0 : index
    %get3A_64 = vector.load %arg9[%get3A_62, %get3A_63] : memref<256x128xbf16, #tpu.memory_space<vmem>>, vector<256x128xbf16>
    %dot_general3A_65 = arith.constant dense<0.000000e+00> : vector<5000x128xf32>
    %dot_general3A_66 = tpu.matmul %convert_element_type3A_61, %get3A_64, %dot_general3A_65 {dimension_numbers = #tpu.dot_dimension_numbers<[1], [0], [0], [1], [0, 0, 1, 1], [], []>, transpose_lhs_hint = false} : vector<5000x256xbf16>, vector<256x128xbf16>, vector<5000x128xf32> -> vector<5000x128xf32>
    %add3A_67 = arith.addf %add3A, %dot_general3A_66 : vector<5000x128xf32>
    %get3A_68 = arith.constant 0 : index
    %get3A_69 = arith.constant 0 : index
    %get3A_70 = vector.load %arg10[%get3A_68, %get3A_69] : memref<1x128xf32, #tpu.memory_space<vmem>>, vector<1x128xf32>
    %add3A_71 = vector.broadcast %get3A_70 : vector<1x128xf32> to vector<5000x128xf32>
    %add3A_72 = arith.addf %add3A_67, %add3A_71 : vector<5000x128xf32>
    %swap3A = arith.constant 0 : index
    %swap3A_73 = arith.constant 0 : index
    %swap3A_74 = vector.load %arg12[%swap3A, %swap3A_73] : memref<5000x128xf32, #tpu.memory_space<vmem>>, vector<5000x128xf32>
    tpu.vector_store %arg12[%swap3A, %swap3A_73], %add3A_72 {strides = array<i32>} : memref<5000x128xf32, #tpu.memory_space<vmem>>, vector<5000x128xf32>,
    return
  }
  func.func @transform_0(%arg0: i32) -> (i32, i32) {
    %c0_i32 = arith.constant 0 : i32
    %c0_i32_0 = arith.constant 0 : i32
    return %arg0, %c0_i32 : i32, i32
  }
  func.func @transform_1(%arg0: i32) -> (i32, i32) {
    %c0_i32 = arith.constant 0 : i32
    %c0_i32_0 = arith.constant 0 : i32
    return %arg0, %c0_i32 : i32, i32
  }
  func.func @transform_2(%arg0: i32) -> (i32, i32) {
    %add3A = arith.constant 0 : i32
    %add3A_0 = arith.addi %arg0, %add3A : i32
    %c0_i32 = arith.constant 0 : i32
    %c0_i32_1 = arith.constant 0 : i32
    return %add3A_0, %c0_i32 : i32, i32
  }
  func.func @transform_3(%arg0: i32) -> (i32, i32) {
    %c0_i32 = arith.constant 0 : i32
    %c0_i32_0 = arith.constant 0 : i32
    %c0_i32_1 = arith.constant 0 : i32
    return %c0_i32, %c0_i32_0 : i32, i32
  }
  func.func @transform_4(%arg0: i32) -> (i32, i32) {
    %c0_i32 = arith.constant 0 : i32
    %c0_i32_0 = arith.constant 0 : i32
    %c0_i32_1 = arith.constant 0 : i32
    return %c0_i32, %c0_i32_0 : i32, i32
  }
  func.func @transform_5(%arg0: i32) -> (i32, i32) {
    %c0_i32 = arith.constant 0 : i32
    %c0_i32_0 = arith.constant 0 : i32
    %c0_i32_1 = arith.constant 0 : i32
    return %c0_i32, %c0_i32_0 : i32, i32
  }
  func.func @transform_6(%arg0: i32) -> (i32, i32) {
    %c0_i32 = arith.constant 0 : i32
    %c0_i32_0 = arith.constant 0 : i32
    %c0_i32_1 = arith.constant 0 : i32
    return %c0_i32, %c0_i32_0 : i32, i32
  }
  func.func @transform_7(%arg0: i32) -> (i32, i32) {
    %c0_i32 = arith.constant 0 : i32
    %c0_i32_0 = arith.constant 0 : i32
    %c0_i32_1 = arith.constant 0 : i32
    return %c0_i32, %c0_i32_0 : i32, i32
  }
  func.func @transform_8(%arg0: i32) -> (i32, i32) {
    %c0_i32 = arith.constant 0 : i32
    %c0_i32_0 = arith.constant 0 : i32
    %c0_i32_1 = arith.constant 0 : i32
    return %c0_i32, %c0_i32_0 : i32, i32
  }
  func.func @transform_9(%arg0: i32) -> (i32, i32) {
    %c0_i32 = arith.constant 0 : i32
    %c0_i32_0 = arith.constant 0 : i32
    %c0_i32_1 = arith.constant 0 : i32
    return %c0_i32, %c0_i32_0 : i32, i32
  }
  func.func @transform_10(%arg0: i32) -> (i32, i32) {
    %c0_i32 = arith.constant 0 : i32
    %c0_i32_0 = arith.constant 0 : i32
    %c0_i32_1 = arith.constant 0 : i32
    return %c0_i32, %c0_i32_0 : i32, i32
  }
  func.func @transform_11(%arg0: i32) -> (i32, i32) {
    %c0_i32 = arith.constant 0 : i32
    %c0_i32_0 = arith.constant 0 : i32
    return %arg0, %c0_i32 : i32, i32
  }
}

module attributes {stable_mosaic.version = 14 : i64} {
  func.func @_p4_body(%arg0: i32, %arg1: memref<5000x8xf32, #tpu.memory_space<vmem>>, %arg2: memref<5000x128xf32, #tpu.memory_space<vmem>>, %arg3: memref<5000x128xf32, #tpu.memory_space<vmem>>, %arg4: memref<128x128xbf16, #tpu.memory_space<vmem>>, %arg5: memref<1x128xf32, #tpu.memory_space<vmem>>, %arg6: memref<1x128xf32, #tpu.memory_space<vmem>>, %arg7: memref<128x256xbf16, #tpu.memory_space<vmem>>, %arg8: memref<1x256xf32, #tpu.memory_space<vmem>>, %arg9: memref<256x128xbf16, #tpu.memory_space<vmem>>, %arg10: memref<1x128xf32, #tpu.memory_space<vmem>>, %arg11: memref<8x128xbf16, #tpu.memory_space<vmem>>, %arg12: memref<5000x128xf32, #tpu.memory_space<vmem>>) attributes {dimension_semantics = [#tpu.dimension_semantics<arbitrary>], iteration_bounds = array<i64: 1>, scalar_prefetch = 0 : i64, scratch_operands = 0 : i64, tpu.core_type = #tpu.core_type<tc>, window_params = [{transform_indices = @transform_0, window_bounds = array<i64: 5000, 8>}, {transform_indices = @transform_1, window_bounds = array<i64: 5000, 128>}, {transform_indices = @transform_2, window_bounds = array<i64: 5000, 128>}, {pipeline_mode = #tpu.pipeline_mode<synchronous>, transform_indices = @transform_3, window_bounds = array<i64: 128, 128>}, {pipeline_mode = #tpu.pipeline_mode<synchronous>, transform_indices = @transform_4, window_bounds = array<i64: 1, 128>}, {pipeline_mode = #tpu.pipeline_mode<synchronous>, transform_indices = @transform_5, window_bounds = array<i64: 1, 128>}, {pipeline_mode = #tpu.pipeline_mode<synchronous>, transform_indices = @transform_6, window_bounds = array<i64: 128, 256>}, {pipeline_mode = #tpu.pipeline_mode<synchronous>, transform_indices = @transform_7, window_bounds = array<i64: 1, 256>}, {pipeline_mode = #tpu.pipeline_mode<synchronous>, transform_indices = @transform_8, window_bounds = array<i64: 256, 128>}, {pipeline_mode = #tpu.pipeline_mode<synchronous>, transform_indices = @transform_9, window_bounds = array<i64: 1, 128>}, {pipeline_mode = #tpu.pipeline_mode<synchronous>, transform_indices = @transform_10, window_bounds = array<i64: 8, 128>}, {transform_indices = @transform_11, window_bounds = array<i64: 5000, 128>}]} {
    %get3A = arith.constant 0 : index
    %get3A_0 = arith.constant 0 : index
    %get3A_1 = vector.load %arg1[%get3A, %get3A_0] : memref<5000x8xf32, #tpu.memory_space<vmem>>, vector<5000x8xf32>
    %div3A = arith.constant 1.000000e+00 : f32
    %div3A_2 = vector.broadcast %div3A : f32 to vector<5000x8xf32>
    %div3A_3 = arith.divf %div3A_2, %get3A_1 : vector<5000x8xf32>
    %convert_element_type3A = arith.truncf %div3A_3 : vector<5000x8xf32> to vector<5000x8xbf16>
    %get3A_4 = arith.constant 0 : index
    %get3A_5 = arith.constant 0 : index
    %get3A_6 = vector.load %arg11[%get3A_4, %get3A_5] : memref<8x128xbf16, #tpu.memory_space<vmem>>, vector<8x128xbf16>
    %dot_general3A = arith.constant dense<0.000000e+00> : vector<5000x128xf32>
    %dot_general3A_7 = tpu.matmul %convert_element_type3A, %get3A_6, %dot_general3A {dimension_numbers = #tpu.dot_dimension_numbers<[1], [0], [0], [1], [0, 0, 1, 1], [], []>, transpose_lhs_hint = false} : vector<5000x8xbf16>, vector<8x128xbf16>, vector<5000x128xf32> -> vector<5000x128xf32>
    %get3A_8 = arith.constant 0 : index
    %get3A_9 = arith.constant 0 : index
    %get3A_10 = vector.load %arg2[%get3A_8, %get3A_9] : memref<5000x128xf32, #tpu.memory_space<vmem>>, vector<5000x128xf32>
    %mul3A = arith.mulf %get3A_10, %dot_general3A_7 : vector<5000x128xf32>
    %get3A_11 = arith.constant 0 : index
    %get3A_12 = arith.constant 0 : index
    %get3A_13 = vector.load %arg3[%get3A_11, %get3A_12] : memref<5000x128xf32, #tpu.memory_space<vmem>>, vector<5000x128xf32>
    %convert_element_type3A_14 = arith.truncf %mul3A : vector<5000x128xf32> to vector<5000x128xbf16>
    %get3A_15 = arith.constant 0 : index
    %get3A_16 = arith.constant 0 : index
    %get3A_17 = vector.load %arg4[%get3A_15, %get3A_16] : memref<128x128xbf16, #tpu.memory_space<vmem>>, vector<128x128xbf16>
    %dot_general3A_18 = arith.constant dense<0.000000e+00> : vector<5000x128xf32>
    %dot_general3A_19 = tpu.matmul %convert_element_type3A_14, %get3A_17, %dot_general3A_18 {dimension_numbers = #tpu.dot_dimension_numbers<[1], [0], [0], [1], [0, 0, 1, 1], [], []>, transpose_lhs_hint = false} : vector<5000x128xbf16>, vector<128x128xbf16>, vector<5000x128xf32> -> vector<5000x128xf32>
    %add3A = arith.addf %get3A_13, %dot_general3A_19 : vector<5000x128xf32>
    %reduce_sum3A = arith.constant dense<0.000000e+00> : vector<5000xf32>
    %reduce_sum3A_20 = vector.multi_reduction <add>, %add3A, %reduce_sum3A [1] : vector<5000x128xf32> to vector<5000xf32>
    %broadcast_in_dim3A = vector.shape_cast %reduce_sum3A_20 : vector<5000xf32> to vector<5000x1xf32>
    %div3A_21 = arith.constant 1.280000e+02 : f32
    %div3A_22 = vector.broadcast %div3A_21 : f32 to vector<5000x1xf32>
    %div3A_23 = arith.divf %broadcast_in_dim3A, %div3A_22 : vector<5000x1xf32>
    %sub3A = vector.broadcast %div3A_23 : vector<5000x1xf32> to vector<5000x128xf32>
    %sub3A_24 = arith.subf %add3A, %sub3A : vector<5000x128xf32>
    %square3A = arith.mulf %sub3A_24, %sub3A_24 : vector<5000x128xf32>
    %reduce_sum3A_25 = arith.constant dense<0.000000e+00> : vector<5000xf32>
    %reduce_sum3A_26 = vector.multi_reduction <add>, %square3A, %reduce_sum3A_25 [1] : vector<5000x128xf32> to vector<5000xf32>
    %broadcast_in_dim3A_27 = vector.shape_cast %reduce_sum3A_26 : vector<5000xf32> to vector<5000x1xf32>
    %div3A_28 = arith.constant 1.280000e+02 : f32
    %div3A_29 = vector.broadcast %div3A_28 : f32 to vector<5000x1xf32>
    %div3A_30 = arith.divf %broadcast_in_dim3A_27, %div3A_29 : vector<5000x1xf32>
    %sub3A_31 = vector.broadcast %div3A_23 : vector<5000x1xf32> to vector<5000x128xf32>
    %sub3A_32 = arith.subf %add3A, %sub3A_31 : vector<5000x128xf32>
    %add3A_33 = arith.constant 9.99999974E-6 : f32
    %add3A_34 = vector.broadcast %add3A_33 : f32 to vector<5000x1xf32>
    %add3A_35 = arith.addf %div3A_30, %add3A_34 : vector<5000x1xf32>
    %sqrt3A = math.sqrt %add3A_35 : vector<5000x1xf32>
    %div3A_36 = vector.broadcast %sqrt3A : vector<5000x1xf32> to vector<5000x128xf32>
    %div3A_37 = arith.divf %sub3A_32, %div3A_36 : vector<5000x128xf32>
    %get3A_38 = arith.constant 0 : index
    %get3A_39 = arith.constant 0 : index
    %get3A_40 = vector.load %arg5[%get3A_38, %get3A_39] : memref<1x128xf32, #tpu.memory_space<vmem>>, vector<1x128xf32>
    %mul3A_41 = vector.broadcast %get3A_40 : vector<1x128xf32> to vector<5000x128xf32>
    %mul3A_42 = arith.mulf %div3A_37, %mul3A_41 : vector<5000x128xf32>
    %get3A_43 = arith.constant 0 : index
    %get3A_44 = arith.constant 0 : index
    %get3A_45 = vector.load %arg6[%get3A_43, %get3A_44] : memref<1x128xf32, #tpu.memory_space<vmem>>, vector<1x128xf32>
    %add3A_46 = vector.broadcast %get3A_45 : vector<1x128xf32> to vector<5000x128xf32>
    %add3A_47 = arith.addf %mul3A_42, %add3A_46 : vector<5000x128xf32>
    %convert_element_type3A_48 = arith.truncf %add3A_47 : vector<5000x128xf32> to vector<5000x128xbf16>
    %get3A_49 = arith.constant 0 : index
    %get3A_50 = arith.constant 0 : index
    %get3A_51 = vector.load %arg7[%get3A_49, %get3A_50] : memref<128x256xbf16, #tpu.memory_space<vmem>>, vector<128x256xbf16>
    %dot_general3A_52 = arith.constant dense<0.000000e+00> : vector<5000x256xf32>
    %dot_general3A_53 = tpu.matmul %convert_element_type3A_48, %get3A_51, %dot_general3A_52 {dimension_numbers = #tpu.dot_dimension_numbers<[1], [0], [0], [1], [0, 0, 1, 1], [], []>, transpose_lhs_hint = false} : vector<5000x128xbf16>, vector<128x256xbf16>, vector<5000x256xf32> -> vector<5000x256xf32>
    %get3A_54 = arith.constant 0 : index
    %get3A_55 = arith.constant 0 : index
    %get3A_56 = vector.load %arg8[%get3A_54, %get3A_55] : memref<1x256xf32, #tpu.memory_space<vmem>>, vector<1x256xf32>
    %add3A_57 = vector.broadcast %get3A_56 : vector<1x256xf32> to vector<5000x256xf32>
    %add3A_58 = arith.addf %dot_general3A_53, %add3A_57 : vector<5000x256xf32>
    %max3A = arith.constant 0.000000e+00 : f32
    %max3A_59 = vector.broadcast %max3A : f32 to vector<5000x256xf32>
    %max3A_60 = arith.maximumf %add3A_58, %max3A_59 : vector<5000x256xf32>
    %convert_element_type3A_61 = arith.truncf %max3A_60 : vector<5000x256xf32> to vector<5000x256xbf16>
    %get3A_62 = arith.constant 0 : index
    %get3A_63 = arith.constant 0 : index
    %get3A_64 = vector.load %arg9[%get3A_62, %get3A_63] : memref<256x128xbf16, #tpu.memory_space<vmem>>, vector<256x128xbf16>
    %dot_general3A_65 = arith.constant dense<0.000000e+00> : vector<5000x128xf32>
    %dot_general3A_66 = tpu.matmul %convert_element_type3A_61, %get3A_64, %dot_general3A_65 {dimension_numbers = #tpu.dot_dimension_numbers<[1], [0], [0], [1], [0, 0, 1, 1], [], []>, transpose_lhs_hint = false} : vector<5000x256xbf16>, vector<256x128xbf16>, vector<5000x128xf32> -> vector<5000x128xf32>
    %add3A_67 = arith.addf %add3A, %dot_general3A_66 : vector<5000x128xf32>
    %get3A_68 = arith.constant 0 : index
    %get3A_69 = arith.constant 0 : index
    %get3A_70 = vector.load %arg10[%get3A_68, %get3A_69] : memref<1x128xf32, #tpu.memory_space<vmem>>, vector<1x128xf32>
    %add3A_71 = vector.broadcast %get3A_70 : vector<1x128xf32> to vector<5000x128xf32>
    %add3A_72 = arith.addf %add3A_67, %add3A_71 : vector<5000x128xf32>
    %swap3A = arith.constant 0 : index
    %swap3A_73 = arith.constant 0 : index
    %swap3A_74 = vector.load %arg12[%swap3A, %swap3A_73] : memref<5000x128xf32, #tpu.memory_space<vmem>>, vector<5000x128xf32>
    tpu.vector_store %arg12[%swap3A, %swap3A_73], %add3A_72 {strides = array<i32>} : memref<5000x128xf32, #tpu.memory_space<vmem>>, vector<5000x128xf32>,
    return
  }
  func.func @transform_0(%arg0: i32) -> (i32, i32) {
    %c0_i32 = arith.constant 0 : i32
    %c0_i32_0 = arith.constant 0 : i32
    return %arg0, %c0_i32 : i32, i32
  }
  func.func @transform_1(%arg0: i32) -> (i32, i32) {
    %c0_i32 = arith.constant 0 : i32
    %c0_i32_0 = arith.constant 0 : i32
    return %arg0, %c0_i32 : i32, i32
  }
  func.func @transform_2(%arg0: i32) -> (i32, i32) {
    %add3A = arith.constant 1 : i32
    %add3A_0 = arith.addi %arg0, %add3A : i32
    %c0_i32 = arith.constant 0 : i32
    %c0_i32_1 = arith.constant 0 : i32
    return %add3A_0, %c0_i32 : i32, i32
  }
  func.func @transform_3(%arg0: i32) -> (i32, i32) {
    %c0_i32 = arith.constant 0 : i32
    %c0_i32_0 = arith.constant 0 : i32
    %c0_i32_1 = arith.constant 0 : i32
    return %c0_i32, %c0_i32_0 : i32, i32
  }
  func.func @transform_4(%arg0: i32) -> (i32, i32) {
    %c0_i32 = arith.constant 0 : i32
    %c0_i32_0 = arith.constant 0 : i32
    %c0_i32_1 = arith.constant 0 : i32
    return %c0_i32, %c0_i32_0 : i32, i32
  }
  func.func @transform_5(%arg0: i32) -> (i32, i32) {
    %c0_i32 = arith.constant 0 : i32
    %c0_i32_0 = arith.constant 0 : i32
    %c0_i32_1 = arith.constant 0 : i32
    return %c0_i32, %c0_i32_0 : i32, i32
  }
  func.func @transform_6(%arg0: i32) -> (i32, i32) {
    %c0_i32 = arith.constant 0 : i32
    %c0_i32_0 = arith.constant 0 : i32
    %c0_i32_1 = arith.constant 0 : i32
    return %c0_i32, %c0_i32_0 : i32, i32
  }
  func.func @transform_7(%arg0: i32) -> (i32, i32) {
    %c0_i32 = arith.constant 0 : i32
    %c0_i32_0 = arith.constant 0 : i32
    %c0_i32_1 = arith.constant 0 : i32
    return %c0_i32, %c0_i32_0 : i32, i32
  }
  func.func @transform_8(%arg0: i32) -> (i32, i32) {
    %c0_i32 = arith.constant 0 : i32
    %c0_i32_0 = arith.constant 0 : i32
    %c0_i32_1 = arith.constant 0 : i32
    return %c0_i32, %c0_i32_0 : i32, i32
  }
  func.func @transform_9(%arg0: i32) -> (i32, i32) {
    %c0_i32 = arith.constant 0 : i32
    %c0_i32_0 = arith.constant 0 : i32
    %c0_i32_1 = arith.constant 0 : i32
    return %c0_i32, %c0_i32_0 : i32, i32
  }
  func.func @transform_10(%arg0: i32) -> (i32, i32) {
    %c0_i32 = arith.constant 0 : i32
    %c0_i32_0 = arith.constant 0 : i32
    %c0_i32_1 = arith.constant 0 : i32
    return %c0_i32, %c0_i32_0 : i32, i32
  }
  func.func @transform_11(%arg0: i32) -> (i32, i32) {
    %c0_i32 = arith.constant 0 : i32
    %c0_i32_0 = arith.constant 0 : i32
    return %arg0, %c0_i32 : i32, i32
  }
}

</mosaic_0001>

<sc_bundles>
// kernel: kernel.12.cloned.1.call-start
scs
__scs_entry_jumppad:
0x0: {  	(pc) =	sbr.rel $0x88, $3  }
0x1: {  	(tag) =	ssettag $0x0;
	lr =	simm.s32 $0x1  }
0x2: {  	[smem:$0x3F90] =	sst lr;
	_ =	strace $0xD0000000  }
0x3: {  	_ = 	snop  }
0x4: {  	_ = 	snop  }
0x5: {  	_ = 	snop  }
0x6: {  	_ = 	snop  }
0x7: {  	_ = 	snop  }
__scs_overlays_trampoline_lowered:
0x8: {  	[smem:$0x3F9F] =	sst s0  }
0x9: {  	[smem:$0x3FA0] =	sst s1  }
0xa: {  	[smem:$0x3FA1] =	sst s2  }
0xb: {  	[smem:$0x3FA2] =	sst s3  }
0xc: {  	[smem:$0x3FA3] =	sst s4  }
0xd: {  	[smem:$0x3FA4] =	sst s5  }
0xe: {  	[smem:$0x3FA5] =	sst s6  }
0xf: {  	[smem:$0x3FA6] =	sst s7  }
0x10: {  	[smem:$0x3FA7] =	sst s8  }
0x11: {  	[smem:$0x3FA8] =	sst s9;
	s0 =	simm.s32 @!p0 $0x0  }
0x12: {  	s1 =	sld [smem:$0x3F8E];
	s0 =	simm.s32 @p0 $0x1  }
0x13: {  	[smem:$0x3FA9] =	sst s0;
	s0 =	simm.s32 @!p1 $0x0  }
0x14: {  	s2 =	sld [smem:$0x3F8D];
	s0 =	simm.s32 @p1 $0x1  }
0x15: {  	[smem:$0x3FAA] =	sst s0;
	s0 =	simm.s32 @!p2 $0x0  }
0x16: {  	s3 =	sld [smem:$0x3FDB];
	s0 =	simm.s32 @p2 $0x1  }
0x17: {  	s4 =	simm.s32 $0x1BF5;
	[smem:$0x3FAC] =	sst s0  }
0x18: {  	s0 =	sld [smem:$0x3F8F];
	_ =	swait.ge [sflag:s4], $0x0  }
0x19: {  	s7 =	sld [smem:$0x3F90]  }
0x1a: {  	s8 =	sadd.s32 $0xFFFFE003, lr  }
0x1b: {  	s9 =	sadd.s32 $0xFFFFFEF7, lr;
	s5 =	simm.s32 $0xFFFFFFFF;
	p2 =	slt.u32 s8, $0xFFFFF086  }
0x1c: {  	p1 =	slt.u32 s9, $0xF7A;
	s5 =	simm.s32 @!p2 $0x0  }
0x1d: {  	s5 =	simm.s32 @p1 $0x1;
	p0 =	seq.s32 s7, s2  }
0x1e: {  	s7 =	smul.u32 @!p0 $0xF7A, s2;
	p2 =	seq.s32 @!p0 s5, $0x0  }
0x1f: {  	s9 =	smul.u32 $0xF7A, s1;
	s8 =	simm.s32 @!p0 $0x1BF5;
	p2 =	por !p2, p0  }
0x20: {  	[sflag:s8] =	ssyncset.s32 @!p0 $0xFFFFF086;
	s6 =	sadd.s32 @!p0 s3, s7;
	s7 =	simm.s32 @!p0 $0x108  }
0x21: {  	s3 =	sadd.s32 s3, s9;
	s6 =	sadd.s32 @!p0 $0x88, s6;
	s7 =	simm.s32 @p2 $0x1082  }
0x22: {  	[simem:s7], [sflag:s8] =	dma.local @!p0 [hbm:s6], $0xF7A  }
0x23: {  	s9 =	sor.u32 $0xD0000000, s2;
	s6 =	simm.s32 $0x108;
	_ =	swait.ge @!p0 [sflag:s8], $0x0  }
0x24: {  	s3 =	sadd.s32 $0x88, s3;
	s6 =	simm.s32 @!p1 $0x1082;
	[sflag:s4] =	ssyncset.s32 $0xFFFFF086  }
0x25: {  	[simem:s6], [sflag:s4] =	dma.local [hbm:s3], $0xF7A  }
0x26: {  	[smem:$0x3F90] =	sst s1;
	(tag) =	ssettag s2;
	_ =	strace s9  }
0x27: {  	s1 =	sld [smem:$0x3FA0]  }
0x28: {  	s2 =	sld [smem:$0x3FA1]  }
0x29: {  	s4 =	sld [smem:$0x3FA3]  }
0x2a: {  	p0 =	seq.s32 s5, $0x0;
	s5 =	sld [smem:$0x3FA4]  }
0x2b: {  	s6 =	sld [smem:$0x3FA5]  }
0x2c: {  	s7 =	sld [smem:$0x3FA6]  }
0x2d: {  	s3 =	simm.s32 $0x108;
	s8 =	sld [smem:$0x3FA7]  }
0x2e: {  	s3 =	simm.s32 @!p0 $0x1082;
	s9 =	sld [smem:$0x3FA8]  }
0x2f: {  	lr =	sadd.s32 s0, s3;
	s0 =	sld [smem:$0x3F9F]  }
0x30: {  	s3 =	sld [smem:$0x3FA2]  }
0x31: {  	[smem:$0x3FAB] =	sst s10  }
0x32: {  	s10 =	sld [smem:$0x3FA9];
	_ =	sdelay $0x3  }
0x33: {  	p0 =	seq.s32 s10, $0x1;
	s10 =	sld [smem:$0x3FAB];
	_ =	sdelay $0x3  }
0x34: {  	[smem:$0x3FAB] =	sst s10  }
0x35: {  	s10 =	sld [smem:$0x3FAA];
	_ =	sdelay $0x3  }
0x36: {  	p1 =	seq.s32 s10, $0x1;
	s10 =	sld [smem:$0x3FAB];
	_ =	sdelay $0x3  }
0x37: {  	[smem:$0x3FAB] =	sst s10  }
0x38: {  	s10 =	sld [smem:$0x3FAC]  }
0x39: {  	_ = 	snop;
	(pc) =	sbr.ind lr, $3  }
0x3a: {  	_ = 	snop  }
0x3b: {  	_ = 	snop  }
0x3c: {  	p2 =	seq.s32 s10, $0x1;
	s10 =	sld [smem:$0x3FAB]  }
0x3d: {  	_ =	shalt  }
0x3e: {  	_ =	shalt  }
0x3f: {  	_ =	shalt  }
0x40: {  	_ =	shalt  }
0x41: {  	_ =	shalt  }
0x42: {  	_ =	shalt  }
0x43: {  	_ =	shalt  }
0x44: {  	_ =	shalt  }
0x45: {  	_ =	shalt  }
0x46: {  	_ =	shalt  }
0x47: {  	_ =	shalt  }
0x48: {  	_ =	shalt  }
0x49: {  	_ =	shalt  }
0x4a: {  	_ =	shalt  }
0x4b: {  	_ =	shalt  }
0x4c: {  	_ =	shalt  }
0x4d: {  	_ =	shalt  }
0x4e: {  	_ =	shalt  }
0x4f: {  	_ =	shalt  }
0x50: {  	_ =	shalt  }
0x51: {  	_ =	shalt  }
0x52: {  	_ =	shalt  }
0x53: {  	_ =	shalt  }
0x54: {  	_ =	shalt  }
0x55: {  	_ =	shalt  }
0x56: {  	_ =	shalt  }
0x57: {  	_ =	shalt  }
0x58: {  	_ =	shalt  }
0x59: {  	_ =	shalt  }
0x5a: {  	_ =	shalt  }
0x5b: {  	_ =	shalt  }
0x5c: {  	_ =	shalt  }
0x5d: {  	_ =	shalt  }
0x5e: {  	_ =	shalt  }
0x5f: {  	_ =	shalt  }
0x60: {  	_ =	shalt  }
0x61: {  	_ =	shalt  }
0x62: {  	_ =	shalt  }
0x63: {  	_ =	shalt  }
0x64: {  	_ =	shalt  }
0x65: {  	_ =	shalt  }
0x66: {  	_ =	shalt  }
0x67: {  	_ =	shalt  }
0x68: {  	_ =	shalt  }
0x69: {  	_ =	shalt  }
0x6a: {  	_ =	shalt  }
0x6b: {  	_ =	shalt  }
0x6c: {  	_ =	shalt  }
0x6d: {  	_ =	shalt  }
0x6e: {  	_ =	shalt  }
0x6f: {  	_ =	shalt  }
0x70: {  	_ =	shalt  }
0x71: {  	_ =	shalt  }
0x72: {  	_ =	shalt  }
0x73: {  	_ =	shalt  }
0x74: {  	_ =	shalt  }
0x75: {  	_ =	shalt  }
0x76: {  	_ =	shalt  }
0x77: {  	_ =	shalt  }
0x78: {  	_ =	shalt  }
0x79: {  	_ =	shalt  }
0x7a: {  	_ =	shalt  }
0x7b: {  	_ =	shalt  }
0x7c: {  	_ =	shalt  }
0x7d: {  	_ =	shalt  }
0x7e: {  	_ =	shalt  }
0x7f: {  	_ =	shalt  }
0x80: {  	_ =	shalt  }
0x81: {  	_ =	shalt  }
0x82: {  	_ =	shalt  }
0x83: {  	_ =	shalt  }
0x84: {  	_ =	shalt  }
0x85: {  	_ =	shalt  }
0x86: {  	_ =	shalt  }
0x87: {  	_ =	shalt  }
.Lfunc_end0:
.L_simem_size_0:
called_computation.2_lowered:
.L_overlay_start_0:
0x88: {  	s2 =	sld [smem:$0x3FD9]  }
0x89: {  	s3 =	sld [smem:$0x3FFE];
	_ =	sdelay $0x1  }
0x8a: {  	s1 =	srdreg.scid  }
0x8b: {  	s0 =	sand.u32 $0x1, s1  }
0x8c: {  	s17 =	sshll.u32 s0, $0xA;
	s2 =	sadd.s32 s3, s2  }
0x8d: {  	s2 =	sadd.s32 s2, s17  }
0x8e: {  	[smem:$0x3FB7] =	sst s2  }
0x8f: {  	_ = 	snop  }
0x90: {  	s18 =	sld [smem:$0x3FD0];
	(tm) =	ssettm $0x1  }
0x91: {  	s19 =	sld [smem:$0x3FFB];
	_ =	sdelay $0x3  }
0x92: {  	_ =	strace s19  }
0x93: {  	s2 =	sld [smem:$0x3FFC];
	_ =	sdelay $0x3  }
0x94: {  	_ =	strace s2  }
0x95: {  	s2 =	sld [smem:$0x3FFD];
	_ =	sdelay $0x3  }
0x96: {  	_ =	strace s2  }
0x97: {  	_ =	strace $0x8FFFFFFF  }
0x98: {  	s20 =	sld [smem:$0x3FDB];
	_ =	sdelay $0x1  }
0x99: {  	s4 =	simm.s32 $_scs_section_size  }
0x9a: {  	s5 =	simm.s32 $_size__tile_overlayer_lowered;
	s6 =	simm.s32 $_tile_overlayer_lowered  }
0x9b: {  	s7 =	simm.s32 $0x1BFF;
	s21 =	sshll.u32 s6, $0x1;
	s4 =	sadd.s32 s4, s20  }
0x9c: {  	s22 =	simm.s32 $0x0;
	s5 =	sshll.u32 s5, $0x1;
	s6 =	sadd.s32 s21, s4  }
0x9d: {  	[timem:s22], [sflag:s7] =	dma.local [hbm:s6], s5  }
0x9e: {  	_ =	swait.ge [sflag:s7], s5  }
0x9f: {  	s5 =	ssub.s32 $0x0, s5;
	[sflag:s7] =	ssyncset.done $0x0  }
0xa0: {  	[sflag:s7] =	ssyncadd.s32 s5;
	_ =	sdelay $0x1  }
0xa1: {  	s23 =	simm.s32 $0x1B8B  }
0xa2: {  	_ =	swait.ge [sflag:s23], $0x1  }
0xa3: {  	[sflag:s23] =	ssyncset.done $0x0  }
0xa4: {  	[sflag:s23] =	ssyncadd.s32 $0xFFFFFFFF  }
0xa5: {  	s5 =	sld [smem:$0x0]  }
0xa6: {  	s6 =	sand.u32 $0xFFFFFFFE, s1  }
0xa7: {  	p0 =	sne.s32 s1, s6  }
0xa8: {  	s6 =	sshll.u32 @p0 s6, $0xE  }
0xa9: {  	s6 =	sadd.s32 @p0 $0x11B8D, s6;
	s7 =	sshll.u32 @p0 s5, $0x11  }
0xaa: {  	s6 =	sor.u32 @p0 s7, s6  }
0xab: {  	[sflag:s6] =	ssyncadd.remote.s32 @p0 $0x1;
	_ =	sdelay $0x1  }
0xac: {  	s6 =	simm.s32 @p0 $0x1B8D  }
0xad: {  	_ =	swait.eq @p0 [sflag:s6], $0x1  }
0xae: {  	[sflag:s6] =	ssyncadd.s32 @p0 $0xFFFFFFFF  }
0xaf: {  	s7 =	sshll.u32 @!p0 s1, $0xE  }
0xb0: {  	s7 =	sor.u32 @!p0 $0x4000, s7;
	s6 =	simm.s32 @!p0 $0x1B8D  }
0xb1: {  	s5 =	sshll.u32 @!p0 s5, $0x11;
	s7 =	sadd.s32 @!p0 $0x11B8D, s7;
	_ =	swait.eq @!p0 [sflag:s6], $0x1  }
0xb2: {  	s5 =	sor.u32 @!p0 s5, s7;
	[sflag:s6] =	ssyncadd.s32 @!p0 $0xFFFFFFFF  }
0xb3: {  	s25 =	simm.s32 $0x1B8E;
	s24 =	sld [smem:$0x3FFE];
	[sflag:s5] =	ssyncadd.remote.s32 @!p0 $0x1  }
0xb4: {  	s26 =	simm.s32 $execute0_lowered;
	[smem:$0x3FD2] =	sst s25  }
0xb5: {  	s6 =	sshll.u32 s26, $0x1;
	_ =	strace $0x8000004C;
	[dreg:$0x1] =	wrdreg $0xFFFFFFFF  }
0xb6: {  	s28 =	simm.s32 $_size_execute0_lowered;
	s4 =	sadd.s32 s4, s6;
	[dreg:$0x0] =	wrdreg $0x0  }
0xb7: {  	s6 =	sshll.u32 s28, $0x1;
	[dreg:$0x2] =	wrdreg s4  }
0xb8: {  	[dreg:$0x3] =	wrdreg s6  }
0xb9: {  	[dreg:$0x4] =	wrdreg $0xC0  }
0xba: {  	_ =	task [dreg:s22], $0x5FFFF  }
0xbb: {  	[dreg:$0x1] =	wrdreg $0xFFFFFFFF  }
0xbc: {  	[dreg:$0x0] =	wrdreg $0x60  }
0xbd: {  	[dreg:$0x2] =	wrdreg s18  }
0xbe: {  	[dreg:$0x3] =	wrdreg s24  }
0xbf: {  	[dreg:$0x4] =	wrdreg $0xB  }
0xc0: {  	_ =	task.clear_ibuf [dreg:s22], $0x5FFFF;
	_ =	strace $0x9000004C  }
0xc1: {  	s29 =	simm.s32 $0xB;
	_ =	strace $0x8000004E  }
0xc2: {  	_ =	swait.ge [sflag:s29], $0x1  }
0xc3: {  	[sflag:s29] =	ssyncadd.s32 $0xFFFFFFFF  }
0xc4: {  	_ =	strace $0x9000004E  }
0xc5: {  	_ =	sfence  }
0xc6: {  	s30 =	sld [smem:$0x0];
	_ =	sdelay $0x2  }
0xc7: {  	s31 =	sshll.u32 s1, $0xD;
	s1 =	sshrl.u32 s1, $0x2  }
0xc8: {  	s4 =	sand.u32 $0x4000, s31;
	s1 =	sadd.s32 s1, s30  }
0xc9: {  	s0 =	sor.u32 s4, s0;
	s1 =	sshll.u32 s1, $0x11  }
0xca: {  	s0 =	sor.u32 s1, s0  }
0xcb: {  	s0 =	sadd.s32 $0x8F2B, s0  }
0xcc: {  	[sflag:s0] =	ssyncadd.remote.s32 $0x1  }
0xcd: {  	_ =	sfence.sel $0xFFFF  }
0xce: {  	[dreg:$0x0] =	wrdreg $0xFFFFFFFF;
	(pc) =	sbr.abs _section_cstart, $3  }
0xcf: {  	[dreg:$0x1] =	wrdreg $0xFFFFFFFF  }
0xd0: {  	_ =	task.clear_ibuf [dreg:s22], $0x2FFFF;
	_ =	strace $0x9FFFFFFF  }
0xd1: {  	(tm) =	ssettm $0x7FFFFFFF  }
tec
execute0_lowered:
.L_overlay_start_1:
0x0: {  	(tag) =	ssettag $0x1  }
0x1: {  	s1 =	srdreg.scid  }
0x2: {  	s0 =	stileid.u32;
	s2 =	rddreg [dreg:$0x0]  }
0x3: {  	s6 =	rddreg [dreg:$0x1];
	s3 =	simm.s32 $0x0;
	s11 =	simm.s32 $0x2800  }
0x4: {  	s12 =	simm.s32 $0x1;
	s4 =	sand.u32 $0x1, s1;
	s29 =	sshll.u32 s0, $0x1  }
0x5: {  	s13 =	simm.s32 $0x2;
	s1 =	rddreg [dreg:$0x2];
	s5 =	sor.u32 s4, s29  }
0x6: {  	s14 =	simm.s32 $0x0;
	[smem:$0x7FF] =	sst s3;
	s7 =	smul.u32 $0x2710, s5  }
0x7: {  	s10 =	smul.u32 $0x27100, s0;
	_ =	strace $0x8000004D;
	s8 =	ssub.s32 $0x2, s4  }
0x8: {  	s5 =	smul.u32 $0x9C400, s5;
	s9 =	sshrl.u32 s8, $0x1;
	s7 =	sadd.s32 $0x1388, s7  }
0x9: {  	s30 =	smul.u32 $0x13880, s4;
	s8 =	ssub.s32 s8, s9;
	s7 =	sshrl.u32 s7, $0x3  }
0xa: {  	s5 =	sshrl.u32 s5, $0x3;
	s7 =	sadd.s32 s7, s6;
	s6 =	sadd.s32 $0x788400, s6  }
0xb: {  	s9 =	simm.s32 $0x28;
	s5 =	sadd.s32 s6, s5;
	s4 =	sadd.s32 $0x4E6400, s7  }
0xc: {  	s31 =	sadd.s32 s10, s6;
	s6 =	smax.u32 s8, $0x1;
	s8 =	simm.s32 $0x3  }
0xd: {  	s10 =	simm.s32 $0x1400;
	s5 =	sadd.s32 $0x13600, s5;
	s7 =	sadd.s32 s30, s31  }
.LBB2_1:
0xe: {  	[tilespmem:s3], [sflag:$0x3] =	stream.linear.gather [hbm4b:s4+s3], $0x1388, $0x38;
	[tilespmem:$0x3C00] =	vst v63  }
0xf: {  	_ =	swait.ge [sflag:s8], $0x1388  }
0x10: {  	[sflag:s8] =	ssyncset.done $0x0  }
0x11: {  	[sflag:s8] =	ssyncadd.s32 $0xFFFFEC78  }
0x12: {  	[tilespmem:s10], [sflag:$0x1] =	stream.indirect.gather [hbm4b:s2+s9], $0x80, s3, s9, $0xb8;
	[tilespmem:$0x3C00] =	vst v63  }
0x13: {  	s15 =	simm.s32 $0x28  }
0x14: {  	[tilespmem:s11], [sflag:$0x2] =	stream.indirect.gather [hbm4b:s2+s9], $0x80, s15, s9, $0xb8;
	[tilespmem:$0x3C00] =	vst v63  }
0x15: {  	_ =	swait.ge [sflag:s12], $0x1400  }
0x16: {  	[sflag:s12] =	ssyncset.done $0x0  }
0x17: {  	s31 =	sadd.s32 $0x0, s7;
	[sflag:s12] =	ssyncadd.s32 $0xFFFFEC00  }
0x18: {  	[hbm4b:s31+s3] =	stream.linear.scatter [tilespmem:s10], [sflag:$0x3], $0x1400, $0x38;
	[tilespmem:$0x3C00] =	vst v63  }
0x19: {  	_ =	swait.ge [sflag:s8], $0x1400  }
0x1a: {  	[sflag:s8] =	ssyncset.done $0x0  }
0x1b: {  	s16 =	simm.s32 $0x50;
	[sflag:s8] =	ssyncadd.s32 $0xFFFFEC00  }
0x1c: {  	[tilespmem:s10], [sflag:$0x1] =	stream.indirect.gather [hbm4b:s2+s9], $0x80, s16, s9, $0xb8;
	[tilespmem:$0x3C00] =	vst v63  }
0x1d: {  	_ =	swait.ge [sflag:s13], $0x1400  }
0x1e: {  	[sflag:s13] =	ssyncset.done $0x0  }
0x1f: {  	s15 =	sadd.s32 $0x280, s31;
	[sflag:s13] =	ssyncadd.s32 $0xFFFFEC00  }
0x20: {  	[hbm4b:s15+s3] =	stream.linear.scatter [tilespmem:s11], [sflag:$0x3], $0x1400, $0x38;
	[tilespmem:$0x3C00] =	vst v63  }
0x21: {  	s17 =	simm.s32 $0xA00;
	_ =	swait.ge [sflag:s8], $0x1400  }
0x22: {  	s16 =	simm.s32 $0x500;
	s15 =	simm.s32 $0xA0;
	[sflag:s8] =	ssyncset.done $0x0  }
.LBB2_2:
0x23: {  	p0 =	sne.s32 s17, $0x13100;
	s18 =	sadd.s32 $0xFFFFFFD8, s15;
	[sflag:s8] =	ssyncadd.s32 $0xFFFFEC00  }
0x24: {  	[tilespmem:s11], [sflag:$0x2] =	stream.indirect.gather [hbm4b:s2+s9], $0x80, s18, s9, $0xb8;
	[tilespmem:$0x3C00] =	vst v63  }
0x25: {  	s18 =	smov.u32 s17;
	s17 =	sadd.s32 $0x500, s17;
	_ =	swait.ge [sflag:s12], $0x1400  }
0x26: {  	[sflag:s12] =	ssyncset.done $0x0  }
0x27: {  	s19 =	sadd.s32 s16, s7;
	s16 =	smov.u32 s18;
	[sflag:s12] =	ssyncadd.s32 $0xFFFFEC00  }
0x28: {  	[hbm4b:s19+s3] =	stream.linear.scatter [tilespmem:s10], [sflag:$0x3], $0x1400, $0x38;
	[tilespmem:$0x3C00] =	vst v63  }
0x29: {  	_ =	swait.ge [sflag:s8], $0x1400  }
0x2a: {  	[sflag:s8] =	ssyncset.done $0x0  }
0x2b: {  	[sflag:s8] =	ssyncadd.s32 $0xFFFFEC00  }
0x2c: {  	[tilespmem:s10], [sflag:$0x1] =	stream.indirect.gather [hbm4b:s2+s9], $0x80, s15, s9, $0xb8;
	[tilespmem:$0x3C00] =	vst v63  }
0x2d: {  	_ =	swait.ge [sflag:s13], $0x1400  }
.Ltmp0:
0x2e: {  	[sflag:s13] =	ssyncset.done $0x0;
	(pc) =	sbr.rel @p0 .LBB2_2-.Ltmp0, $4  }
0x2f: {  	s18 =	sadd.s32 $0x280, s19;
	[sflag:s13] =	ssyncadd.s32 $0xFFFFEC00  }
0x30: {  	[hbm4b:s18+s3] =	stream.linear.scatter [tilespmem:s11], [sflag:$0x3], $0x1400, $0x38;
	[tilespmem:$0x3C00] =	vst v63  }
0x31: {  	_ =	swait.ge [sflag:s8], $0x1400  }
0x32: {  	s15 =	sadd.s32 $0x50, s15;
	[sflag:s8] =	ssyncset.done $0x0  }
0x33: {  	s17 =	sadd.s32 $0xFFFFFFD8, s15;
	[sflag:s8] =	ssyncadd.s32 $0xFFFFEC00  }
0x34: {  	[tilespmem:s11], [sflag:$0x2] =	stream.indirect.gather [hbm4b:s2+s9], $0x80, s17, s9, $0xb8;
	[tilespmem:$0x3C00] =	vst v63  }
0x35: {  	_ =	swait.ge [sflag:s12], $0x1400  }
0x36: {  	[sflag:s12] =	ssyncset.done $0x0  }
0x37: {  	s16 =	sadd.s32 s16, s7;
	[sflag:s12] =	ssyncadd.s32 $0xFFFFEC00  }
0x38: {  	[hbm4b:s16+s3] =	stream.linear.scatter [tilespmem:s10], [sflag:$0x3], $0x1400, $0x38;
	[tilespmem:$0x3C00] =	vst v63  }
0x39: {  	_ =	swait.ge [sflag:s8], $0x1400  }
0x3a: {  	[sflag:s8] =	ssyncset.done $0x0  }
0x3b: {  	[sflag:s8] =	ssyncadd.s32 $0xFFFFEC00  }
0x3c: {  	[tilespmem:s10], [sflag:$0x1] =	stream.indirect.gather [hbm4b:s2+s9], $0x80, s15, s9, $0xb8;
	[tilespmem:$0x3C00] =	vst v63  }
0x3d: {  	_ =	swait.ge [sflag:s13], $0x1400  }
0x3e: {  	[sflag:s13] =	ssyncset.done $0x0  }
0x3f: {  	s31 =	sadd.s32 $0x280, s16;
	[sflag:s13] =	ssyncadd.s32 $0xFFFFEC00  }
0x40: {  	[hbm4b:s31+s3] =	stream.linear.scatter [tilespmem:s11], [sflag:$0x3], $0x1400, $0x38;
	[tilespmem:$0x3C00] =	vst v63  }
0x41: {  	_ =	swait.ge [sflag:s8], $0x1400  }
0x42: {  	[sflag:s8] =	ssyncset.done $0x0  }
0x43: {  	[sflag:s8] =	ssyncadd.s32 $0xFFFFEC00  }
0x44: {  	s14 =	sadd.s32 $0x1, s14;
	_ =	swait.ge [sflag:s12], $0x1400  }
0x45: {  	p0 =	sne.s32 s14, s6;
	[sflag:s12] =	ssyncset.done $0x0  }
.Ltmp1:
0x46: {  	[sflag:s12] =	ssyncadd.s32 $0xFFFFEC00;
	(pc) =	sbr.rel @p0 .LBB2_1-.Ltmp1, $4  }
0x47: {  	[hbm4b:s5+s3] =	stream.linear.scatter [tilespmem:s10], [sflag:$0x3], $0x1400, $0x38;
	[tilespmem:$0x3C00] =	vst v63  }
0x48: {  	_ =	swait.ge [sflag:s8], $0x1400  }
0x49: {  	[sflag:s8] =	ssyncset.done $0x0  }
0x4a: {  	[sflag:s8] =	ssyncadd.s32 $0xFFFFEC00  }
0x4b: {  	_ =	sfence.sel $0x180000  }
0x4c: {  	[bflag:$0x0] =	sbarrier.arrive $0xFFFF  }
0x4d: {  	p0 =	sne.s32 s0, $0x0;
	_ =	strace $0x9000004D  }
0x4e: {  	s0 =	sadd.s32 @!p0 $0x100000, s1;
	[bflag:$0x2] =	sbarrier.arrive $0xFFFF  }
0x4f: {  	[sflag:s0] =	ssyncadd.tile.s32 @!p0 $0x1;
	_ =	shalt  }
.Lfunc_end2:
_tile_overlayer_lowered:
.L_overlay_start_2:
0x50: {  	(tag) =	ssettag $0x2  }
0x51: {  	s0 =	rddreg [dreg:$0x0];
	s2 =	stileid.u32  }
0x52: {  	s1 =	rddreg [dreg:$0x1];
	p0 =	sne.s32 s2, $0x0  }
0x53: {  	s3 =	rddreg [dreg:$0x2];
	[bflag:$0x3] =	sbarrier.arrive $0xFFFF;
	s2 =	simm.s32 @!p0 $0x1C03  }
0x54: {  	[timem:s3], [sflag:s2] =	dma.local @!p0 [hbm:s0], s1  }
0x55: {  	s0 =	simm.s32 @!p0 $0x3  }
0x56: {  	_ =	swait.ge @!p0 [sflag:s0], s1  }
0x57: {  	s1 =	ssub.s32 @!p0 $0x0, s1;
	[sflag:s0] =	ssyncset.done @!p0 $0x0  }
0x58: {  	[sflag:s0] =	ssyncadd.s32 @!p0 s1  }
0x59: {  	[bflag:$0x3] =	sbarrier.arrive $0xFFFF  }
0x5a: {  	_ =	shalt  }

// kernel: kernel.9.cloned.1.call-start
scs
__scs_entry_jumppad:
0x0: {  	(pc) =	sbr.rel $0x88, $3  }
0x1: {  	(tag) =	ssettag $0x0;
	lr =	simm.s32 $0x1  }
0x2: {  	[smem:$0x3F90] =	sst lr;
	_ =	strace $0xD0000000  }
0x3: {  	_ = 	snop  }
0x4: {  	_ = 	snop  }
0x5: {  	_ = 	snop  }
0x6: {  	_ = 	snop  }
0x7: {  	_ = 	snop  }
__scs_overlays_trampoline_lowered:
0x8: {  	[smem:$0x3F9F] =	sst s0  }
0x9: {  	[smem:$0x3FA0] =	sst s1  }
0xa: {  	[smem:$0x3FA1] =	sst s2  }
0xb: {  	[smem:$0x3FA2] =	sst s3  }
0xc: {  	[smem:$0x3FA3] =	sst s4  }
0xd: {  	[smem:$0x3FA4] =	sst s5  }
0xe: {  	[smem:$0x3FA5] =	sst s6  }
0xf: {  	[smem:$0x3FA6] =	sst s7  }
0x10: {  	[smem:$0x3FA7] =	sst s8  }
0x11: {  	[smem:$0x3FA8] =	sst s9;
	s0 =	simm.s32 @!p0 $0x0  }
0x12: {  	s1 =	sld [smem:$0x3F8E];
	s0 =	simm.s32 @p0 $0x1  }
0x13: {  	[smem:$0x3FA9] =	sst s0;
	s0 =	simm.s32 @!p1 $0x0  }
0x14: {  	s2 =	sld [smem:$0x3F8D];
	s0 =	simm.s32 @p1 $0x1  }
0x15: {  	[smem:$0x3FAA] =	sst s0;
	s0 =	simm.s32 @!p2 $0x0  }
0x16: {  	s3 =	sld [smem:$0x3FDB];
	s0 =	simm.s32 @p2 $0x1  }
0x17: {  	s4 =	simm.s32 $0x1BF5;
	[smem:$0x3FAC] =	sst s0  }
0x18: {  	s0 =	sld [smem:$0x3F8F];
	_ =	swait.ge [sflag:s4], $0x0  }
0x19: {  	s7 =	sld [smem:$0x3F90]  }
0x1a: {  	s8 =	sadd.s32 $0xFFFFE003, lr  }
0x1b: {  	s9 =	sadd.s32 $0xFFFFFEF7, lr;
	s5 =	simm.s32 $0xFFFFFFFF;
	p2 =	slt.u32 s8, $0xFFFFF086  }
0x1c: {  	p1 =	slt.u32 s9, $0xF7A;
	s5 =	simm.s32 @!p2 $0x0  }
0x1d: {  	s5 =	simm.s32 @p1 $0x1;
	p0 =	seq.s32 s7, s2  }
0x1e: {  	s7 =	smul.u32 @!p0 $0xF7A, s2;
	p2 =	seq.s32 @!p0 s5, $0x0  }
0x1f: {  	s9 =	smul.u32 $0xF7A, s1;
	s8 =	simm.s32 @!p0 $0x1BF5;
	p2 =	por !p2, p0  }
0x20: {  	[sflag:s8] =	ssyncset.s32 @!p0 $0xFFFFF086;
	s6 =	sadd.s32 @!p0 s3, s7;
	s7 =	simm.s32 @!p0 $0x108  }
0x21: {  	s3 =	sadd.s32 s3, s9;
	s6 =	sadd.s32 @!p0 $0x88, s6;
	s7 =	simm.s32 @p2 $0x1082  }
0x22: {  	[simem:s7], [sflag:s8] =	dma.local @!p0 [hbm:s6], $0xF7A  }
0x23: {  	s9 =	sor.u32 $0xD0000000, s2;
	s6 =	simm.s32 $0x108;
	_ =	swait.ge @!p0 [sflag:s8], $0x0  }
0x24: {  	s3 =	sadd.s32 $0x88, s3;
	s6 =	simm.s32 @!p1 $0x1082;
	[sflag:s4] =	ssyncset.s32 $0xFFFFF086  }
0x25: {  	[simem:s6], [sflag:s4] =	dma.local [hbm:s3], $0xF7A  }
0x26: {  	[smem:$0x3F90] =	sst s1;
	(tag) =	ssettag s2;
	_ =	strace s9  }
0x27: {  	s1 =	sld [smem:$0x3FA0]  }
0x28: {  	s2 =	sld [smem:$0x3FA1]  }
0x29: {  	s4 =	sld [smem:$0x3FA3]  }
0x2a: {  	p0 =	seq.s32 s5, $0x0;
	s5 =	sld [smem:$0x3FA4]  }
0x2b: {  	s6 =	sld [smem:$0x3FA5]  }
0x2c: {  	s7 =	sld [smem:$0x3FA6]  }
0x2d: {  	s3 =	simm.s32 $0x108;
	s8 =	sld [smem:$0x3FA7]  }
0x2e: {  	s3 =	simm.s32 @!p0 $0x1082;
	s9 =	sld [smem:$0x3FA8]  }
0x2f: {  	lr =	sadd.s32 s0, s3;
	s0 =	sld [smem:$0x3F9F]  }
0x30: {  	s3 =	sld [smem:$0x3FA2]  }
0x31: {  	[smem:$0x3FAB] =	sst s10  }
0x32: {  	s10 =	sld [smem:$0x3FA9];
	_ =	sdelay $0x3  }
0x33: {  	p0 =	seq.s32 s10, $0x1;
	s10 =	sld [smem:$0x3FAB];
	_ =	sdelay $0x3  }
0x34: {  	[smem:$0x3FAB] =	sst s10  }
0x35: {  	s10 =	sld [smem:$0x3FAA];
	_ =	sdelay $0x3  }
0x36: {  	p1 =	seq.s32 s10, $0x1;
	s10 =	sld [smem:$0x3FAB];
	_ =	sdelay $0x3  }
0x37: {  	[smem:$0x3FAB] =	sst s10  }
0x38: {  	s10 =	sld [smem:$0x3FAC]  }
0x39: {  	_ = 	snop;
	(pc) =	sbr.ind lr, $3  }
0x3a: {  	_ = 	snop  }
0x3b: {  	_ = 	snop  }
0x3c: {  	p2 =	seq.s32 s10, $0x1;
	s10 =	sld [smem:$0x3FAB]  }
0x3d: {  	_ =	shalt  }
0x3e: {  	_ =	shalt  }
0x3f: {  	_ =	shalt  }
0x40: {  	_ =	shalt  }
0x41: {  	_ =	shalt  }
0x42: {  	_ =	shalt  }
0x43: {  	_ =	shalt  }
0x44: {  	_ =	shalt  }
0x45: {  	_ =	shalt  }
0x46: {  	_ =	shalt  }
0x47: {  	_ =	shalt  }
0x48: {  	_ =	shalt  }
0x49: {  	_ =	shalt  }
0x4a: {  	_ =	shalt  }
0x4b: {  	_ =	shalt  }
0x4c: {  	_ =	shalt  }
0x4d: {  	_ =	shalt  }
0x4e: {  	_ =	shalt  }
0x4f: {  	_ =	shalt  }
0x50: {  	_ =	shalt  }
0x51: {  	_ =	shalt  }
0x52: {  	_ =	shalt  }
0x53: {  	_ =	shalt  }
0x54: {  	_ =	shalt  }
0x55: {  	_ =	shalt  }
0x56: {  	_ =	shalt  }
0x57: {  	_ =	shalt  }
0x58: {  	_ =	shalt  }
0x59: {  	_ =	shalt  }
0x5a: {  	_ =	shalt  }
0x5b: {  	_ =	shalt  }
0x5c: {  	_ =	shalt  }
0x5d: {  	_ =	shalt  }
0x5e: {  	_ =	shalt  }
0x5f: {  	_ =	shalt  }
0x60: {  	_ =	shalt  }
0x61: {  	_ =	shalt  }
0x62: {  	_ =	shalt  }
0x63: {  	_ =	shalt  }
0x64: {  	_ =	shalt  }
0x65: {  	_ =	shalt  }
0x66: {  	_ =	shalt  }
0x67: {  	_ =	shalt  }
0x68: {  	_ =	shalt  }
0x69: {  	_ =	shalt  }
0x6a: {  	_ =	shalt  }
0x6b: {  	_ =	shalt  }
0x6c: {  	_ =	shalt  }
0x6d: {  	_ =	shalt  }
0x6e: {  	_ =	shalt  }
0x6f: {  	_ =	shalt  }
0x70: {  	_ =	shalt  }
0x71: {  	_ =	shalt  }
0x72: {  	_ =	shalt  }
0x73: {  	_ =	shalt  }
0x74: {  	_ =	shalt  }
0x75: {  	_ =	shalt  }
0x76: {  	_ =	shalt  }
0x77: {  	_ =	shalt  }
0x78: {  	_ =	shalt  }
0x79: {  	_ =	shalt  }
0x7a: {  	_ =	shalt  }
0x7b: {  	_ =	shalt  }
0x7c: {  	_ =	shalt  }
0x7d: {  	_ =	shalt  }
0x7e: {  	_ =	shalt  }
0x7f: {  	_ =	shalt  }
0x80: {  	_ =	shalt  }
0x81: {  	_ =	shalt  }
0x82: {  	_ =	shalt  }
0x83: {  	_ =	shalt  }
0x84: {  	_ =	shalt  }
0x85: {  	_ =	shalt  }
0x86: {  	_ =	shalt  }
0x87: {  	_ =	shalt  }
.Lfunc_end0:
.L_simem_size_0:
called_computation.1_lowered:
.L_overlay_start_0:
0x88: {  	s2 =	sld [smem:$0x3FD9]  }
0x89: {  	s3 =	sld [smem:$0x3FFE];
	_ =	sdelay $0x1  }
0x8a: {  	s1 =	srdreg.scid  }
0x8b: {  	s0 =	sand.u32 $0x1, s1  }
0x8c: {  	s17 =	sshll.u32 s0, $0xA;
	s2 =	sadd.s32 s3, s2  }
0x8d: {  	s2 =	sadd.s32 s2, s17  }
0x8e: {  	[smem:$0x3FB7] =	sst s2  }
0x8f: {  	_ = 	snop  }
0x90: {  	s18 =	sld [smem:$0x3FD0];
	(tm) =	ssettm $0x1  }
0x91: {  	s19 =	sld [smem:$0x3FFB];
	_ =	sdelay $0x3  }
0x92: {  	_ =	strace s19  }
0x93: {  	s2 =	sld [smem:$0x3FFC];
	_ =	sdelay $0x3  }
0x94: {  	_ =	strace s2  }
0x95: {  	s2 =	sld [smem:$0x3FFD];
	_ =	sdelay $0x3  }
0x96: {  	_ =	strace s2  }
0x97: {  	_ =	strace $0x8FFFFFFF  }
0x98: {  	s20 =	sld [smem:$0x3FDB];
	_ =	sdelay $0x1  }
0x99: {  	s4 =	simm.s32 $_scs_section_size  }
0x9a: {  	s5 =	simm.s32 $_size__tile_overlayer_lowered;
	s6 =	simm.s32 $_tile_overlayer_lowered  }
0x9b: {  	s7 =	simm.s32 $0x1BFF;
	s21 =	sshll.u32 s6, $0x1;
	s4 =	sadd.s32 s4, s20  }
0x9c: {  	s22 =	simm.s32 $0x0;
	s5 =	sshll.u32 s5, $0x1;
	s6 =	sadd.s32 s21, s4  }
0x9d: {  	[timem:s22], [sflag:s7] =	dma.local [hbm:s6], s5  }
0x9e: {  	_ =	swait.ge [sflag:s7], s5  }
0x9f: {  	s5 =	ssub.s32 $0x0, s5;
	[sflag:s7] =	ssyncset.done $0x0  }
0xa0: {  	[sflag:s7] =	ssyncadd.s32 s5;
	_ =	sdelay $0x1  }
0xa1: {  	s23 =	simm.s32 $0x1B8B  }
0xa2: {  	_ =	swait.ge [sflag:s23], $0x1  }
0xa3: {  	[sflag:s23] =	ssyncset.done $0x0  }
0xa4: {  	[sflag:s23] =	ssyncadd.s32 $0xFFFFFFFF  }
0xa5: {  	s5 =	sld [smem:$0x0]  }
0xa6: {  	s6 =	sand.u32 $0xFFFFFFFE, s1  }
0xa7: {  	p0 =	sne.s32 s1, s6  }
0xa8: {  	s6 =	sshll.u32 @p0 s6, $0xE  }
0xa9: {  	s6 =	sadd.s32 @p0 $0x11B8D, s6;
	s7 =	sshll.u32 @p0 s5, $0x11  }
0xaa: {  	s6 =	sor.u32 @p0 s7, s6  }
0xab: {  	[sflag:s6] =	ssyncadd.remote.s32 @p0 $0x1;
	_ =	sdelay $0x1  }
0xac: {  	s6 =	simm.s32 @p0 $0x1B8D  }
0xad: {  	_ =	swait.eq @p0 [sflag:s6], $0x1  }
0xae: {  	[sflag:s6] =	ssyncadd.s32 @p0 $0xFFFFFFFF  }
0xaf: {  	s7 =	sshll.u32 @!p0 s1, $0xE  }
0xb0: {  	s7 =	sor.u32 @!p0 $0x4000, s7;
	s6 =	simm.s32 @!p0 $0x1B8D  }
0xb1: {  	s5 =	sshll.u32 @!p0 s5, $0x11;
	s7 =	sadd.s32 @!p0 $0x11B8D, s7;
	_ =	swait.eq @!p0 [sflag:s6], $0x1  }
0xb2: {  	s5 =	sor.u32 @!p0 s5, s7;
	[sflag:s6] =	ssyncadd.s32 @!p0 $0xFFFFFFFF  }
0xb3: {  	s25 =	simm.s32 $0x1B8E;
	s24 =	sld [smem:$0x3FFE];
	[sflag:s5] =	ssyncadd.remote.s32 @!p0 $0x1  }
0xb4: {  	s26 =	simm.s32 $execute0_lowered;
	[smem:$0x3FD2] =	sst s25  }
0xb5: {  	s6 =	sshll.u32 s26, $0x1;
	_ =	strace $0x80000049;
	[dreg:$0x1] =	wrdreg $0xFFFFFFFF  }
0xb6: {  	s28 =	simm.s32 $_size_execute0_lowered;
	s4 =	sadd.s32 s4, s6;
	[dreg:$0x0] =	wrdreg $0x0  }
0xb7: {  	s6 =	sshll.u32 s28, $0x1;
	[dreg:$0x2] =	wrdreg s4  }
0xb8: {  	[dreg:$0x3] =	wrdreg s6  }
0xb9: {  	[dreg:$0x4] =	wrdreg $0xC0  }
0xba: {  	_ =	task [dreg:s22], $0x5FFFF  }
0xbb: {  	[dreg:$0x1] =	wrdreg $0xFFFFFFFF  }
0xbc: {  	[dreg:$0x0] =	wrdreg $0x60  }
0xbd: {  	[dreg:$0x2] =	wrdreg s18  }
0xbe: {  	[dreg:$0x3] =	wrdreg s24  }
0xbf: {  	[dreg:$0x4] =	wrdreg $0xA  }
0xc0: {  	_ =	task.clear_ibuf [dreg:s22], $0x5FFFF;
	_ =	strace $0x90000049  }
0xc1: {  	s29 =	simm.s32 $0xA;
	_ =	strace $0x8000004B  }
0xc2: {  	_ =	swait.ge [sflag:s29], $0x1  }
0xc3: {  	[sflag:s29] =	ssyncadd.s32 $0xFFFFFFFF  }
0xc4: {  	_ =	strace $0x9000004B  }
0xc5: {  	_ =	sfence  }
0xc6: {  	s30 =	sld [smem:$0x0];
	_ =	sdelay $0x2  }
0xc7: {  	s31 =	sshll.u32 s1, $0xD;
	s1 =	sshrl.u32 s1, $0x2  }
0xc8: {  	s4 =	sand.u32 $0x4000, s31;
	s1 =	sadd.s32 s1, s30  }
0xc9: {  	s0 =	sor.u32 s4, s0;
	s1 =	sshll.u32 s1, $0x11  }
0xca: {  	s0 =	sor.u32 s1, s0  }
0xcb: {  	s0 =	sadd.s32 $0x8F2B, s0  }
0xcc: {  	[sflag:s0] =	ssyncadd.remote.s32 $0x1  }
0xcd: {  	_ =	sfence.sel $0xFFFF  }
0xce: {  	[dreg:$0x0] =	wrdreg $0xFFFFFFFF;
	(pc) =	sbr.abs _section_cstart, $3  }
0xcf: {  	[dreg:$0x1] =	wrdreg $0xFFFFFFFF  }
0xd0: {  	_ =	task.clear_ibuf [dreg:s22], $0x2FFFF;
	_ =	strace $0x9FFFFFFF  }
0xd1: {  	(tm) =	ssettm $0x7FFFFFFF  }
tec
execute0_lowered:
.L_overlay_start_1:
0x0: {  	(tag) =	ssettag $0x1  }
0x1: {  	s2 =	rddreg [dreg:$0x0];
	s1 =	srdreg.scid  }
0x2: {  	s0 =	stileid.u32;
	s4 =	rddreg [dreg:$0x1]  }
0x3: {  	s3 =	simm.s32 $0x0;
	s12 =	simm.s32 $0x1;
	s13 =	simm.s32 $0x2  }
0x4: {  	s14 =	simm.s32 $0x0;
	s5 =	sand.u32 $0x1, s1;
	s6 =	sshll.u32 s0, $0x1  }
0x5: {  	s1 =	rddreg [dreg:$0x2];
	s10 =	smul.u32 $0x27100, s0;
	s6 =	sor.u32 s5, s6  }
0x6: {  	[smem:$0x7FF] =	sst s3;
	s8 =	sadd.s32 $0x517400, s4;
	s7 =	smul.u32 $0x4E2, s6  }
0x7: {  	_ =	strace $0x8000004A;
	s30 =	ssub.s32 $0x2, s5;
	s6 =	smul.u32 $0x9C400, s6  }
0x8: {  	s11 =	smul.u32 $0x13880, s5;
	s9 =	sshrl.u32 s30, $0x1;
	s31 =	sadd.s32 s10, s8  }
0x9: {  	s10 =	simm.s32 $0x1400;
	s7 =	sadd.s32 s7, s4;
	s6 =	sshrl.u32 s6, $0x3  }
0xa: {  	s9 =	ssub.s32 s30, s9;
	s6 =	sadd.s32 s8, s6;
	s4 =	sadd.s32 $0x4E6400, s7  }
0xb: {  	s7 =	sadd.s32 s11, s31;
	s8 =	simm.s32 $0x3;
	s11 =	simm.s32 $0x2800  }
0xc: {  	s5 =	sadd.s32 $0x13600, s6;
	s6 =	smax.u32 s9, $0x1;
	s9 =	simm.s32 $0x28  }
.LBB2_1:
0xd: {  	[tilespmem:s3], [sflag:$0x3] =	stream.linear.gather [hbm4b:s4+s3], $0x1388, $0x38;
	[tilespmem:$0x3C00] =	vst v63  }
0xe: {  	_ =	swait.ge [sflag:s8], $0x1388  }
0xf: {  	[sflag:s8] =	ssyncset.done $0x0  }
0x10: {  	[sflag:s8] =	ssyncadd.s32 $0xFFFFEC78  }
0x11: {  	[tilespmem:s10], [sflag:$0x1] =	stream.indirect.gather [hbm4b:s2+s9], $0x80, s3, s9, $0xb8;
	[tilespmem:$0x3C00] =	vst v63  }
0x12: {  	s15 =	simm.s32 $0x28  }
0x13: {  	[tilespmem:s11], [sflag:$0x2] =	stream.indirect.gather [hbm4b:s2+s9], $0x80, s15, s9, $0xb8;
	[tilespmem:$0x3C00] =	vst v63  }
0x14: {  	_ =	swait.ge [sflag:s12], $0x1400  }
0x15: {  	[sflag:s12] =	ssyncset.done $0x0  }
0x16: {  	s31 =	sadd.s32 $0x0, s7;
	[sflag:s12] =	ssyncadd.s32 $0xFFFFEC00  }
0x17: {  	[hbm4b:s31+s3] =	stream.linear.scatter [tilespmem:s10], [sflag:$0x3], $0x1400, $0x38;
	[tilespmem:$0x3C00] =	vst v63  }
0x18: {  	_ =	swait.ge [sflag:s8], $0x1400  }
0x19: {  	[sflag:s8] =	ssyncset.done $0x0  }
0x1a: {  	s16 =	simm.s32 $0x50;
	[sflag:s8] =	ssyncadd.s32 $0xFFFFEC00  }
0x1b: {  	[tilespmem:s10], [sflag:$0x1] =	stream.indirect.gather [hbm4b:s2+s9], $0x80, s16, s9, $0xb8;
	[tilespmem:$0x3C00] =	vst v63  }
0x1c: {  	_ =	swait.ge [sflag:s13], $0x1400  }
0x1d: {  	[sflag:s13] =	ssyncset.done $0x0  }
0x1e: {  	s15 =	sadd.s32 $0x280, s31;
	[sflag:s13] =	ssyncadd.s32 $0xFFFFEC00  }
0x1f: {  	[hbm4b:s15+s3] =	stream.linear.scatter [tilespmem:s11], [sflag:$0x3], $0x1400, $0x38;
	[tilespmem:$0x3C00] =	vst v63  }
0x20: {  	s17 =	simm.s32 $0xA00;
	_ =	swait.ge [sflag:s8], $0x1400  }
0x21: {  	s16 =	simm.s32 $0x500;
	s15 =	simm.s32 $0xA0;
	[sflag:s8] =	ssyncset.done $0x0  }
.LBB2_2:
0x22: {  	p0 =	sne.s32 s17, $0x13100;
	s18 =	sadd.s32 $0xFFFFFFD8, s15;
	[sflag:s8] =	ssyncadd.s32 $0xFFFFEC00  }
0x23: {  	[tilespmem:s11], [sflag:$0x2] =	stream.indirect.gather [hbm4b:s2+s9], $0x80, s18, s9, $0xb8;
	[tilespmem:$0x3C00] =	vst v63  }
0x24: {  	s18 =	smov.u32 s17;
	s17 =	sadd.s32 $0x500, s17;
	_ =	swait.ge [sflag:s12], $0x1400  }
0x25: {  	[sflag:s12] =	ssyncset.done $0x0  }
0x26: {  	s19 =	sadd.s32 s16, s7;
	s16 =	smov.u32 s18;
	[sflag:s12] =	ssyncadd.s32 $0xFFFFEC00  }
0x27: {  	[hbm4b:s19+s3] =	stream.linear.scatter [tilespmem:s10], [sflag:$0x3], $0x1400, $0x38;
	[tilespmem:$0x3C00] =	vst v63  }
0x28: {  	_ =	swait.ge [sflag:s8], $0x1400  }
0x29: {  	[sflag:s8] =	ssyncset.done $0x0  }
0x2a: {  	[sflag:s8] =	ssyncadd.s32 $0xFFFFEC00  }
0x2b: {  	[tilespmem:s10], [sflag:$0x1] =	stream.indirect.gather [hbm4b:s2+s9], $0x80, s15, s9, $0xb8;
	[tilespmem:$0x3C00] =	vst v63  }
0x2c: {  	_ =	swait.ge [sflag:s13], $0x1400  }
.Ltmp0:
0x2d: {  	[sflag:s13] =	ssyncset.done $0x0;
	(pc) =	sbr.rel @p0 .LBB2_2-.Ltmp0, $4  }
0x2e: {  	s18 =	sadd.s32 $0x280, s19;
	[sflag:s13] =	ssyncadd.s32 $0xFFFFEC00  }
0x2f: {  	[hbm4b:s18+s3] =	stream.linear.scatter [tilespmem:s11], [sflag:$0x3], $0x1400, $0x38;
	[tilespmem:$0x3C00] =	vst v63  }
0x30: {  	_ =	swait.ge [sflag:s8], $0x1400  }
0x31: {  	s15 =	sadd.s32 $0x50, s15;
	[sflag:s8] =	ssyncset.done $0x0  }
0x32: {  	s17 =	sadd.s32 $0xFFFFFFD8, s15;
	[sflag:s8] =	ssyncadd.s32 $0xFFFFEC00  }
0x33: {  	[tilespmem:s11], [sflag:$0x2] =	stream.indirect.gather [hbm4b:s2+s9], $0x80, s17, s9, $0xb8;
	[tilespmem:$0x3C00] =	vst v63  }
0x34: {  	_ =	swait.ge [sflag:s12], $0x1400  }
0x35: {  	[sflag:s12] =	ssyncset.done $0x0  }
0x36: {  	s16 =	sadd.s32 s16, s7;
	[sflag:s12] =	ssyncadd.s32 $0xFFFFEC00  }
0x37: {  	[hbm4b:s16+s3] =	stream.linear.scatter [tilespmem:s10], [sflag:$0x3], $0x1400, $0x38;
	[tilespmem:$0x3C00] =	vst v63  }
0x38: {  	_ =	swait.ge [sflag:s8], $0x1400  }
0x39: {  	[sflag:s8] =	ssyncset.done $0x0  }
0x3a: {  	[sflag:s8] =	ssyncadd.s32 $0xFFFFEC00  }
0x3b: {  	[tilespmem:s10], [sflag:$0x1] =	stream.indirect.gather [hbm4b:s2+s9], $0x80, s15, s9, $0xb8;
	[tilespmem:$0x3C00] =	vst v63  }
0x3c: {  	_ =	swait.ge [sflag:s13], $0x1400  }
0x3d: {  	[sflag:s13] =	ssyncset.done $0x0  }
0x3e: {  	s31 =	sadd.s32 $0x280, s16;
	[sflag:s13] =	ssyncadd.s32 $0xFFFFEC00  }
0x3f: {  	[hbm4b:s31+s3] =	stream.linear.scatter [tilespmem:s11], [sflag:$0x3], $0x1400, $0x38;
	[tilespmem:$0x3C00] =	vst v63  }
0x40: {  	_ =	swait.ge [sflag:s8], $0x1400  }
0x41: {  	[sflag:s8] =	ssyncset.done $0x0  }
0x42: {  	[sflag:s8] =	ssyncadd.s32 $0xFFFFEC00  }
0x43: {  	s14 =	sadd.s32 $0x1, s14;
	_ =	swait.ge [sflag:s12], $0x1400  }
0x44: {  	p0 =	sne.s32 s14, s6;
	[sflag:s12] =	ssyncset.done $0x0  }
.Ltmp1:
0x45: {  	[sflag:s12] =	ssyncadd.s32 $0xFFFFEC00;
	(pc) =	sbr.rel @p0 .LBB2_1-.Ltmp1, $4  }
0x46: {  	[hbm4b:s5+s3] =	stream.linear.scatter [tilespmem:s10], [sflag:$0x3], $0x1400, $0x38;
	[tilespmem:$0x3C00] =	vst v63  }
0x47: {  	_ =	swait.ge [sflag:s8], $0x1400  }
0x48: {  	[sflag:s8] =	ssyncset.done $0x0  }
0x49: {  	[sflag:s8] =	ssyncadd.s32 $0xFFFFEC00  }
0x4a: {  	_ =	sfence.sel $0x180000  }
0x4b: {  	[bflag:$0x0] =	sbarrier.arrive $0xFFFF  }
0x4c: {  	p0 =	sne.s32 s0, $0x0;
	_ =	strace $0x9000004A  }
0x4d: {  	s0 =	sadd.s32 @!p0 $0x100000, s1;
	[bflag:$0x2] =	sbarrier.arrive $0xFFFF  }
0x4e: {  	[sflag:s0] =	ssyncadd.tile.s32 @!p0 $0x1;
	_ =	shalt  }
.Lfunc_end2:
_tile_overlayer_lowered:
.L_overlay_start_2:
0x4f: {  	(tag) =	ssettag $0x2  }
0x50: {  	s0 =	rddreg [dreg:$0x0];
	s2 =	stileid.u32  }
0x51: {  	s1 =	rddreg [dreg:$0x1];
	p0 =	sne.s32 s2, $0x0  }
0x52: {  	s3 =	rddreg [dreg:$0x2];
	[bflag:$0x3] =	sbarrier.arrive $0xFFFF;
	s2 =	simm.s32 @!p0 $0x1C03  }
0x53: {  	[timem:s3], [sflag:s2] =	dma.local @!p0 [hbm:s0], s1  }
0x54: {  	s0 =	simm.s32 @!p0 $0x3  }
0x55: {  	_ =	swait.ge @!p0 [sflag:s0], s1  }
0x56: {  	s1 =	ssub.s32 @!p0 $0x0, s1;
	[sflag:s0] =	ssyncset.done @!p0 $0x0  }
0x57: {  	[sflag:s0] =	ssyncadd.s32 @!p0 s1  }
0x58: {  	[bflag:$0x3] =	sbarrier.arrive $0xFFFF  }
0x59: {  	_ =	shalt  }

// kernel: sparse-core-data-format-call.cloned.1.call-start
scs
called_computation_lowered:
.L_overlay_start_0:
0x0: {  	s2 =	sld [smem:$0x3FD9]  }
0x1: {  	s3 =	sld [smem:$0x3FFE];
	_ =	sdelay $0x1  }
0x2: {  	s1 =	srdreg.scid  }
0x3: {  	s0 =	sand.u32 $0x1, s1  }
0x4: {  	s18 =	sshll.u32 s0, $0xA;
	s2 =	sadd.s32 s3, s2  }
0x5: {  	s2 =	sadd.s32 s2, s18  }
0x6: {  	[smem:$0x3FB7] =	sst s2  }
0x7: {  	_ = 	snop  }
0x8: {  	s2 =	sld [smem:$0x3FC7];
	(tm) =	ssettm $0x1  }
0x9: {  	s19 =	sld [smem:$0x3FFB];
	_ =	sdelay $0x3  }
0xa: {  	_ =	strace s19  }
0xb: {  	s3 =	sld [smem:$0x3FFC];
	_ =	sdelay $0x3  }
0xc: {  	_ =	strace s3  }
0xd: {  	s3 =	sld [smem:$0x3FFD];
	_ =	sdelay $0x3  }
0xe: {  	_ =	strace s3  }
0xf: {  	_ =	strace $0x8FFFFFFF  }
0x10: {  	s20 =	sld [smem:$0x3FDB];
	_ =	sdelay $0x1  }
0x11: {  	s4 =	simm.s32 $_scs_section_size  }
0x12: {  	s5 =	simm.s32 $_size__tile_overlayer_lowered;
	s6 =	simm.s32 $_tile_overlayer_lowered  }
0x13: {  	s23 =	simm.s32 $0x1BFF;
	s22 =	sshll.u32 s6, $0x1;
	s3 =	sadd.s32 s4, s20  }
0x14: {  	s7 =	simm.s32 $0x0;
	s21 =	sshll.u32 s5, $0x1;
	s5 =	sadd.s32 s22, s3  }
0x15: {  	[timem:s7], [sflag:s23] =	dma.local [hbm:s5], s21  }
0x16: {  	_ =	swait.ge [sflag:s23], s21  }
0x17: {  	s4 =	ssub.s32 $0x0, s21;
	[sflag:s23] =	ssyncset.done $0x0  }
0x18: {  	[sflag:s23] =	ssyncadd.s32 s4;
	_ =	sdelay $0x1  }
0x19: {  	s24 =	simm.s32 $0x1B8B  }
0x1a: {  	_ =	swait.ge [sflag:s24], $0x1  }
0x1b: {  	[sflag:s24] =	ssyncset.done $0x0  }
0x1c: {  	s26 =	simm.s32 $0x1B8E;
	s25 =	sld [smem:$0x3FFE];
	[sflag:s24] =	ssyncadd.s32 $0xFFFFFFFF  }
0x1d: {  	s27 =	simm.s32 $execute0_lowered;
	[smem:$0x3FD2] =	sst s26  }
0x1e: {  	s5 =	sshll.u32 s27, $0x1;
	_ =	strace $0x80000046;
	[dreg:$0x1] =	wrdreg $0xFFFFFFFF  }
0x1f: {  	s28 =	simm.s32 $_size_execute0_lowered;
	s3 =	sadd.s32 s3, s5;
	[dreg:$0x0] =	wrdreg $0x0  }
0x20: {  	s5 =	sshll.u32 s28, $0x1;
	[dreg:$0x2] =	wrdreg s3  }
0x21: {  	[dreg:$0x3] =	wrdreg s5  }
0x22: {  	[dreg:$0x4] =	wrdreg $0xC0  }
0x23: {  	_ =	task [dreg:s7], $0x5FFFF  }
0x24: {  	[dreg:$0x1] =	wrdreg $0xFFFFFFFF  }
0x25: {  	[dreg:$0x0] =	wrdreg $0x60  }
0x26: {  	[dreg:$0x2] =	wrdreg s2  }
0x27: {  	[dreg:$0x3] =	wrdreg s25  }
0x28: {  	[dreg:$0x4] =	wrdreg $0x9  }
0x29: {  	_ =	task.clear_ibuf [dreg:s7], $0x5FFFF;
	_ =	strace $0x90000046  }
0x2a: {  	s29 =	simm.s32 $0x9;
	_ =	strace $0x80000048  }
0x2b: {  	_ =	swait.ge [sflag:s29], $0x1  }
0x2c: {  	[sflag:s29] =	ssyncadd.s32 $0xFFFFFFFF  }
0x2d: {  	_ =	strace $0x90000048  }
0x2e: {  	_ =	sfence  }
0x2f: {  	s30 =	sld [smem:$0x0];
	_ =	sdelay $0x2  }
0x30: {  	s31 =	sshll.u32 s1, $0xD;
	s1 =	sshrl.u32 s1, $0x2  }
0x31: {  	s3 =	sand.u32 $0x4000, s31;
	s1 =	sadd.s32 s1, s30  }
0x32: {  	s0 =	sor.u32 s3, s0;
	s1 =	sshll.u32 s1, $0x11  }
0x33: {  	s0 =	sor.u32 s1, s0  }
0x34: {  	s0 =	sadd.s32 $0x8F2B, s0  }
0x35: {  	[sflag:s0] =	ssyncadd.remote.s32 $0x1  }
0x36: {  	_ =	sfence.sel $0xFFFF  }
0x37: {  	[dreg:$0x0] =	wrdreg $0xFFFFFFFF;
	(pc) =	sbr.abs _section_cstart, $3  }
0x38: {  	[dreg:$0x1] =	wrdreg $0xFFFFFFFF  }
0x39: {  	_ =	task.clear_ibuf [dreg:s7], $0x2FFFF;
	_ =	strace $0x9FFFFFFF  }
0x3a: {  	(tm) =	ssettm $0x7FFFFFFF  }
0x3b: {  	_ =	shalt  }
tec
execute0_lowered:
.L_overlay_start_1:
0x0: {  	(tag) =	ssettag $0x1  }
0x1: {  	s0 =	srdreg.scid;
	s6 =	rddreg [dreg:$0x0]  }
0x2: {  	s5 =	rddreg [dreg:$0x1];
	s1 =	stileid.u32;
	s30 =	simm.s32 $0x2  }
0x3: {  	s13 =	simm.s32 $0x0;
	s9 =	simm.s32 $0x400;
	s0 =	sshll.u32 s0, $0x2  }
0x4: {  	s10 =	simm.s32 $0x0;
	s14 =	simm.s32 $0x0;
	s2 =	sand.u32 $0x4, s0  }
0x5: {  	s11 =	stileid.u32;
	s12 =	simm.s32 $0x0;
	s3 =	ssub.s32 $0x8, s2  }
0x6: {  	s7 =	ssub.s32 $0x4F1, s1;
	s0 =	rddreg [dreg:$0x2];
	s4 =	sshrl.u32 s3, $0x2  }
.Ltmp0:
0x7: {  	s8 =	sshrl.u32 s3, $0x3;
	s4 =	sand.u32 $0x1, s4;
	(pc) =	sbr.rel .LBB1_1-.Ltmp0, $4  }
0x8: {  	_ =	strace $0x80000047;
	s7 =	sshrl.u32 s7, $0x4;
	s4 =	sadd.s32 s8, s4  }
0x9: {  	s31 =	sshll.u32 s2, $0x9;
	s3 =	simm.s32 $0x1;
	s4 =	smul.u32 s7, s4  }
0xa: {  	s5 =	sadd.s32 $0x4400, s5;
	s6 =	sadd.s32 s6, s31;
	[sflag:s3] =	ssyncpa.u1 $0x0  }
0xb: {  	[sflag:s30] =	ssyncpa.u1 $0x0;
	s8 =	simm.s32 $0x200;
	s7 =	sadd.s32 $0x1, s4  }
.LBB1_7:
0xc: {  	s15 =	sadd.s32 $0x10, s11  }
0xd: {  	p1 =	sgt.s32 s15, $0x4E1  }
0xe: {  	s15 =	smov.u32 @p1 s1;
	p1 =	sne.s32 s12, s7  }
.Ltmp1:
0xf: {  	p0 =	slt.u32 s12, $0x2;
	(pc) =	sbr.rel @!p1 .LBB1_8-.Ltmp1, $4  }
0x10: {  	s13 =	simm.s32 @!p0 $0x2  }
0x11: {  	s16 =	sadd.s32 $0x1, s12;
	s14 =	smov.u32 s11;
	_ =	swait.ge @!p0 [sflag:s13], $0x4000  }
0x12: {  	s10 =	sadd.s32 $0x4000, s10;
	s12 =	smov.u32 s16;
	[sflag:s13] =	ssyncset.done @!p0 $0x0  }
0x13: {  	s11 =	smov.u32 s15;
	[sflag:s13] =	ssyncadd.s32 @!p0 $0xFFFFC000;
	s13 =	smov.u32 s2  }
.LBB1_1:
0x14: {  	p0 =	sge.u32 s12, s4  }
0x15: {  	s15 =	sxor.u32 @!p0 $0xFFFFFFFF, s12  }
0x16: {  	s31 =	sadd.s32 $0xFFFFFFFF, s12;
	s16 =	sshll.u32 @!p0 s11, $0xC;
	s15 =	sshll.u32 @!p0 s15, $0xE  }
0x17: {  	s17 =	simm.s32 @!p0 $0x0;
	s16 =	sadd.s32 @!p0 s16, s6;
	s15 =	sand.u32 @!p0 $0x4000, s15  }
0x18: {  	[tilespmem:s15], [sflag:$0x1] =	stream.linear.gather @!p0 [hbm4b:s16+s17], $0x4000, $0x38;
	[tilespmem:$0x10000] =	vst v63  }
0x19: {  	p0 =	sge.u32 s31, s4  }
.Ltmp2:
0x1a: {  	_ = 	snop;
	(pc) =	sbr.rel @p0 .LBB1_7-.Ltmp2, $1  }
0x1b: {  	_ =	sdelay $0x3  }
0x1c: {  	s16 =	sand.u32 $0x4000, s10  }
0x1d: {  	_ =	swait.ge [sflag:s3], $0x4000;
	s18 =	sshll.u32 s12, $0xE;
	s15 =	sor.u32 $0x8040, s16  }
0x1e: {  	s17 =	sor.u32 $0x40, s16;
	[sflag:s3] =	ssyncset.done $0x0;
	s31 =	sand.u32 $0x4000, s18  }
0x1f: {  	s18 =	simm.s32 $0x0;
	[sflag:s3] =	ssyncadd.s32 $0xFFFFC000;
	s16 =	sor.u32 $0x8000, s31  }
.LBB1_3:
0x20: {  	v0 =	vmov s17;
	_ =	sdelay $0x3  }
0x21: {  	s20 =	simm.s32 $0x0  }
0x22: {  	v6 =	vld.idx.msk [tilespmem:v0+s20+$0x30 ss:$0x1], $0xffff  }
0x23: {  	v7 =	vld.idx.msk [tilespmem:v0+s20+$0xFFFFFFC0 ss:$0x1], $0xffff  }
0x24: {  	v5 =	vld.idx.msk [tilespmem:v0+s20+$0xFFFFFFD0 ss:$0x1], $0xffff  }
0x25: {  	v4 =	vld.idx.msk [tilespmem:v0+s20+$0xFFFFFFE0 ss:$0x1], $0xffff  }
0x26: {  	v3 =	vld.idx.msk [tilespmem:v0+s20+$0xFFFFFFF0 ss:$0x1], $0xffff  }
0x27: {  	v1 =	vld.idx.msk [tilespmem:v0+s20+$0x0 ss:$0x1], $0xffff  }
0x28: {  	v2 =	vld.idx.msk [tilespmem:v0+s20+$0x10 ss:$0x1], $0xffff;
	[tilespmem:s15+$0x30] =	vst v6  }
0x29: {  	s19 =	simm.s32 $0x80;
	s21 =	simm.s32 $0x400;
	[tilespmem:s15+$0xFFFFFFC0] =	vst v7;
	v6 =	vld.idx.msk [tilespmem:v0+s20+$0x20 ss:$0x1], $0xffff;
	s20 =	smov.u32 s15  }
.LBB1_4:
0x2a: {  	p0 =	sne.s32 s21, $0x3E00;
	v7 =	vld.idx.msk [tilespmem:v0+s19+$0x30 ss:$0x1], $0xffff;
	[tilespmem:s20+$0xFFFFFFD0] =	vst v5  }
0x2b: {  	v8 =	vld.idx.msk [tilespmem:v0+s19+$0xFFFFFFC0 ss:$0x1], $0xffff;
	[tilespmem:s20+$0xFFFFFFE0] =	vst v4  }
0x2c: {  	v5 =	vld.idx.msk [tilespmem:v0+s19+$0xFFFFFFD0 ss:$0x1], $0xffff;
	[tilespmem:s20+$0xFFFFFFF0] =	vst v3  }
.Ltmp3:
0x2d: {  	v4 =	vld.idx.msk [tilespmem:v0+s19+$0xFFFFFFE0 ss:$0x1], $0xffff;
	[tilespmem:s20+$0x0] =	vst v1;
	(pc) =	sbr.rel @p0 .LBB1_4-.Ltmp3, $4  }
0x2e: {  	v3 =	vld.idx.msk [tilespmem:v0+s19+$0xFFFFFFF0 ss:$0x1], $0xffff;
	[tilespmem:s20+$0x10] =	vst v2  }
0x2f: {  	v1 =	vld.idx.msk [tilespmem:v0+s19+$0x0 ss:$0x1], $0xffff;
	[tilespmem:s20+$0x20] =	vst v6;
	s20 =	sadd.s32 $0x200, s20  }
0x30: {  	v2 =	vld.idx.msk [tilespmem:v0+s19+$0x10 ss:$0x1], $0xffff;
	[tilespmem:s20+$0x30] =	vst v7  }
0x31: {  	[tilespmem:s20+$0xFFFFFFC0] =	vst v8;
	v6 =	vld.idx.msk [tilespmem:v0+s19+$0x20 ss:$0x1], $0xffff;
	s19 =	sshra.s32 s21, $0x2;
	s21 =	sadd.s32 $0x200, s21  }
0x32: {  	_ =	sdelay $0x2  }
0x33: {  	[tilespmem:s20+$0xFFFFFFD0] =	vst v5  }
0x34: {  	v56 =	vld.idx.msk [tilespmem:v0+s19+$0x30 ss:$0x1], $0xffff;
	[tilespmem:s20+$0xFFFFFFE0] =	vst v4  }
0x35: {  	v57 =	vld.idx.msk [tilespmem:v0+s19+$0xFFFFFFC0 ss:$0x1], $0xffff;
	[tilespmem:s20+$0xFFFFFFF0] =	vst v3  }
0x36: {  	v58 =	vld.idx.msk [tilespmem:v0+s19+$0xFFFFFFD0 ss:$0x1], $0xffff;
	[tilespmem:s20+$0x0] =	vst v1  }
0x37: {  	v59 =	vld.idx.msk [tilespmem:v0+s19+$0xFFFFFFE0 ss:$0x1], $0xffff;
	[tilespmem:s20+$0x10] =	vst v2  }
0x38: {  	v60 =	vld.idx.msk [tilespmem:v0+s19+$0xFFFFFFF0 ss:$0x1], $0xffff;
	s31 =	sadd.s32 $0x200, s20;
	[tilespmem:s20+$0x20] =	vst v6  }
0x39: {  	v61 =	vld.idx.msk [tilespmem:v0+s19+$0x0 ss:$0x1], $0xffff;
	[tilespmem:s31+$0x30] =	vst v56  }
0x3a: {  	v62 =	vld.idx.msk [tilespmem:v0+s19+$0x10 ss:$0x1], $0xffff;
	s18 =	sadd.s32 $0x1, s18;
	[tilespmem:s31+$0xFFFFFFC0] =	vst v57  }
0x3b: {  	v63 =	vld.idx.msk [tilespmem:v0+s19+$0x20 ss:$0x1], $0xffff;
	p0 =	sne.s32 s18, $0x4;
	[tilespmem:s31+$0xFFFFFFD0] =	vst v58  }
.Ltmp4:
0x3c: {  	[tilespmem:s31+$0xFFFFFFE0] =	vst v59;
	(pc) =	sbr.rel @p0 .LBB1_3-.Ltmp4, $4  }
0x3d: {  	[tilespmem:s31+$0xFFFFFFF0] =	vst v60  }
0x3e: {  	[tilespmem:s31+$0x0] =	vst v61  }
0x3f: {  	[tilespmem:s31+$0x10] =	vst v62  }
0x40: {  	s15 =	sadd.s32 $0x80, s15;
	s17 =	sadd.s32 $0x1000, s17;
	[tilespmem:s31+$0x20] =	vst v63  }
.Ltmp5:
0x41: {  	(pc) =	sbr.rel .LBB1_7-.Ltmp5, $4  }
0x42: {  	s14 =	sshll.u32 s14, $0xC  }
0x43: {  	s13 =	sshll.u32 s13, $0x4;
	s14 =	sadd.s32 s5, s14  }
0x44: {  	s13 =	sadd.s32 s13, s14  }
0x45: {  	[hbm4b:s13+s8] =	stream.strided.scatter [tilespmem:s16], [sflag:$0x2], $0x4000, s9, s8, $0x38;
	[tilespmem:$0x10000] =	vst v63  }
.LBB1_8:
0x46: {  	_ =	sfence.sel $0x180000  }
0x47: {  	s2 =	simm.s32 $0x1;
	[bflag:$0x0] =	sbarrier.arrive $0xFFFF  }
0x48: {  	s31 =	simm.s32 $0x2;
	[sflag:s2] =	ssyncpa.u1 $0x1  }
0x49: {  	[sflag:s31] =	ssyncpa.u1 $0x1  }
0x4a: {  	p0 =	sne.s32 s1, $0x0;
	_ =	strace $0x90000047  }
0x4b: {  	s0 =	sadd.s32 @!p0 $0x100000, s0;
	[bflag:$0x2] =	sbarrier.arrive $0xFFFF  }
0x4c: {  	[sflag:s0] =	ssyncadd.tile.s32 @!p0 $0x1;
	_ =	shalt  }
.Lfunc_end1:
_tile_overlayer_lowered:
.L_overlay_start_2:
0x4d: {  	(tag) =	ssettag $0x2  }
0x4e: {  	s0 =	rddreg [dreg:$0x0];
	s2 =	stileid.u32  }
0x4f: {  	s1 =	rddreg [dreg:$0x1];
	p0 =	sne.s32 s2, $0x0  }
0x50: {  	s3 =	rddreg [dreg:$0x2];
	[bflag:$0x3] =	sbarrier.arrive $0xFFFF;
	s2 =	simm.s32 @!p0 $0x1C01  }
0x51: {  	[timem:s3], [sflag:s2] =	dma.local @!p0 [hbm:s0], s1  }
0x52: {  	s0 =	simm.s32 @!p0 $0x1  }
0x53: {  	_ =	swait.ge @!p0 [sflag:s0], s1  }
0x54: {  	s1 =	ssub.s32 @!p0 $0x0, s1;
	[sflag:s0] =	ssyncset.done @!p0 $0x0  }
0x55: {  	[sflag:s0] =	ssyncadd.s32 @!p0 s1  }
0x56: {  	[bflag:$0x3] =	sbarrier.arrive $0xFFFF  }
0x57: {  	_ =	shalt  }

</sc_bundles>
